<compile_context>
chip_gen: v7x
topology: tpu7x:2x2x1
jax: 0.10.2.dev20260603
libtpu: 0.0.44.dev20260713+nightly
codegen_flags: <defaults>
</compile_context>

<pallas_src>
import functools

import jax
import jax.numpy as jnp
from jax import lax
from jax.experimental import pallas as pl
from jax.experimental.pallas import tpu as pltpu
from jax.experimental.pallas import tpu_sc as plsc

N = 16384
P = 4096
NBLK = 2048
NSTEPS = N // NBLK
CHUNK = 128
CPB = NBLK // CHUNK

NW = 32
PPW = P // NW
LANES = 16
GROUPS = PPW // LANES


def _round_bf16(x):
    b = lax.bitcast_convert_type(x, jnp.int32)
    r = (b + jnp.int32(0x7FFF) + ((b >> 16) & jnp.int32(1))) & jnp.int32(
        ~0xFFFF)
    return lax.bitcast_convert_type(r, jnp.float32)


def _argmin_body(ab_ref, mub_ref, mut_ref, cp_ref, out_ref, rmin_ref, ridx_ref):
    j = pl.program_id(0)

    @pl.when(j == 0)
    def _init():
        rmin_ref[...] = jnp.full((P, CHUNK), jnp.inf, jnp.float32)
        ridx_ref[...] = jnp.zeros((P, CHUNK), jnp.int32)

    a2 = ab_ref[...] * jnp.bfloat16(-2.0)
    dotn = lax.dot_general(a2, mub_ref[...], (((1,), (0,)), ((), ())),
                           preferred_element_type=jnp.float32)
    mx = mut_ref[0:1, :]
    my = mut_ref[1:2, :]
    mz = mut_ref[2:3, :]
    musq = (mx * mx + my * my) + mz * mz
    cpx = cp_ref[:, 0:1]
    cpy = cp_ref[:, 1:2]
    cpz = cp_ref[:, 2:3]
    cpsq = (cpx * cpx + cpy * cpy) + cpz * cpz
    score = (cpsq + musq) + dotn

    vals = [score[:, k * CHUNK:(k + 1) * CHUNK] for k in range(CPB)]
    idxs = [jnp.full((P, CHUNK), k, jnp.int32) for k in range(CPB)]
    while len(vals) > 1:
        nv, ni = [], []
        for p in range(0, len(vals), 2):
            av, bv = vals[p], vals[p + 1]
            ai, bi = idxs[p], idxs[p + 1]
            u = bv < av
            nv.append(jnp.where(u, bv, av))
            ni.append(jnp.where(u, bi, ai))
        vals, idxs = nv, ni
    loc, lix = vals[0], idxs[0] + j * CPB
    old = rmin_ref[...]
    u = loc < old
    rmin_ref[...] = jnp.where(u, loc, old)
    ridx_ref[...] = jnp.where(u, lix, ridx_ref[...])

    @pl.when(j == NSTEPS - 1)
    def _fin():
        rmin = rmin_ref[...]
        m = jnp.min(rmin, axis=1, keepdims=True)
        lane = lax.broadcasted_iota(jnp.int32, (P, CHUNK), 1)
        nf = ridx_ref[...] * CHUNK + lane
        cand = jnp.where(rmin == m, nf, jnp.int32(2**30))
        out_ref[...] = jnp.min(cand, axis=1, keepdims=True)


def _nn_argmin(a_b, mu_b, mu_t, cp):
    return pl.pallas_call(
        _argmin_body,
        grid=(NSTEPS,),
        in_specs=[
            pl.BlockSpec((P, 8), lambda j: (0, 0)),
            pl.BlockSpec((8, NBLK), lambda j: (0, j)),
            pl.BlockSpec((8, NBLK), lambda j: (0, j)),
            pl.BlockSpec((P, 3), lambda j: (0, 0)),
        ],
        out_specs=pl.BlockSpec((P, 1), lambda j: (0, 0)),
        out_shape=jax.ShapeDtypeStruct((P, 1), jnp.int32),
        scratch_shapes=[
            pltpu.VMEM((P, CHUNK), jnp.float32),
            pltpu.VMEM((P, CHUNK), jnp.int32),
        ],
        compiler_params=pltpu.CompilerParams(
            dimension_semantics=("arbitrary",),
        ),
    )(a_b, mu_b, mu_t, cp)


def _sqrt16(x):
    b = plsc.bitcast(x, jnp.int32)
    y = plsc.bitcast((b >> 1) + jnp.int32(0x1FBD1DF5), jnp.float32)
    for _ in range(3):
        y = 0.5 * (y + x / y)
    return y


def _sc_body(idx_hbm, tab_hbm, cpf_hbm, conf_hbm, out_hbm,
             idx_v, idb_v, rows_v, cpx_v, cpy_v, cpz_v, w_v, acc_v, red_v,
             shr_v, sem):
    cid = lax.axis_index("c")
    sid = lax.axis_index("s")
    wid = sid * 2 + cid
    base = wid * PPW
    pltpu.sync_copy(idx_hbm.at[pl.ds(base, PPW)], idx_v)
    for g in range(GROUPS):
        sl = pl.ds(g * LANES, LANES)
        idb_v[sl] = idx_v[sl] >> 3
    pltpu.async_copy(tab_hbm.at[idb_v], rows_v, sem).wait()
    pltpu.sync_copy(cpf_hbm.at[pl.ds(0 * P + base, PPW)], cpx_v)
    pltpu.sync_copy(cpf_hbm.at[pl.ds(1 * P + base, PPW)], cpy_v)
    pltpu.sync_copy(cpf_hbm.at[pl.ds(2 * P + base, PPW)], cpz_v)
    pltpu.sync_copy(conf_hbm.at[pl.ds(base, PPW)], w_v)

    acc = jnp.zeros((LANES,), jnp.float32)
    iota = lax.iota(jnp.int32, LANES)
    for g in range(GROUPS):
        sl = pl.ds(g * LANES, LANES)
        rows = iota + jnp.int32(g * LANES)
        inner = (idx_v[sl] & 7) << 4
        mux = plsc.load_gather(rows_v, [rows, inner])
        muy = plsc.load_gather(rows_v, [rows, inner + 1])
        muz = plsc.load_gather(rows_v, [rows, inner + 2])
        scx = plsc.load_gather(rows_v, [rows, inner + 3])
        scy = plsc.load_gather(rows_v, [rows, inner + 4])
        scz = plsc.load_gather(rows_v, [rows, inner + 5])
        dx = (cpx_v[sl] - mux) / (jnp.exp(scx) + 1e-6)
        dy = (cpy_v[sl] - muy) / (jnp.exp(scy) + 1e-6)
        dz = (cpz_v[sl] - muz) / (jnp.exp(scz) + 1e-6)
        m2 = dx * dx + dy * dy + dz * dz
        r = _sqrt16(m2) - 1.0
        w = jnp.minimum(jnp.maximum(w_v[sl], 0.0), 1.0)
        acc = acc + r * r * w

    acc_v[...] = acc
    pltpu.sync_copy(acc_v, shr_v.at[sid + 16])
    plsc.subcore_barrier()

    @pl.when(sid == 0)
    def _reduce():
        pltpu.sync_copy(shr_v.at[pl.ds(16, 16)], red_v)
        s = red_v[0]
        for i in range(1, 16):
            s = s + red_v[i]
        acc_v[...] = plsc.cumsum(s)
        pltpu.sync_copy(acc_v, out_hbm.at[cid])


def _sc_gather_residual(idx, tab, cp_flat, conf):
    mesh = plsc.VectorSubcoreMesh(core_axis_name="c", subcore_axis_name="s")
    fn = functools.partial(
        pl.kernel,
        out_type=jax.ShapeDtypeStruct((2, LANES), jnp.float32),
        mesh=mesh,
        scratch_types=[
            pltpu.VMEM((PPW,), jnp.int32),
            pltpu.VMEM((PPW,), jnp.int32),
            pltpu.VMEM((PPW, 128), jnp.float32),
            pltpu.VMEM((PPW,), jnp.float32),
            pltpu.VMEM((PPW,), jnp.float32),
            pltpu.VMEM((PPW,), jnp.float32),
            pltpu.VMEM((PPW,), jnp.float32),
            pltpu.VMEM((LANES,), jnp.float32),
            pltpu.VMEM((16, LANES), jnp.float32),
            pltpu.VMEM_SHARED((32, LANES), jnp.float32),
            pltpu.SemaphoreType.DMA,
        ],
        compiler_params=pltpu.CompilerParams(needs_layout_passes=False),
    )(_sc_body)
    return fn(idx, tab, cp_flat, conf)


def kernel(positions, scales, contact_points, contact_normals, contact_confidence):
    del contact_normals
    mu_t = jnp.concatenate(
        [positions.T, jnp.zeros((5, N), jnp.float32)], axis=0)
    mu_b = mu_t.astype(jnp.bfloat16)
    a_b = jnp.concatenate(
        [contact_points, jnp.zeros((P, 5), jnp.float32)],
        axis=1).astype(jnp.bfloat16)
    cp_flat = contact_points.T.reshape(3 * P)
    tab = jnp.concatenate(
        [positions, scales, jnp.zeros((N, 10), jnp.float32)],
        axis=1).reshape(N // 8, 128)

    idx = _nn_argmin(a_b, mu_b, mu_t, contact_points).reshape(P)
    partials = _sc_gather_residual(idx, tab, cp_flat, contact_confidence)
    return ((partials[0, 15] + partials[1, 15]) * (1.0 / P)).reshape(())

# --- scband reference (transcript-rebuilt; emitter-appended) ---
"""Pipeline reference for scband-tactile-depth-residual-24927990186060 (READ-ONLY COPY).

The authoritative reference and input builder live on the scoring server;
editing this copy changes nothing except your own understanding.
"""

import jax, jax.numpy as jnp
import numpy as np


def setup_inputs(seed: int = 0) -> dict:
    key = jax.random.key(seed)
    k1, k2, k3, k4, k5 = jax.random.split(key, 5)
    N, P = 16384, 4096
    positions = jax.random.normal(k1, (N, 3), dtype=jnp.float32)
    scales = jax.random.normal(k2, (N, 3), dtype=jnp.float32)
    contact_points = jax.random.normal(k3, (P, 3), dtype=jnp.float32)
    contact_normals = jax.random.normal(k4, (P, 3), dtype=jnp.float32)
    contact_confidence = jax.random.uniform(k5, (P,), dtype=jnp.float32)
    return {
        "positions": positions,
        "scales": scales,
        "contact_points": contact_points,
        "contact_normals": contact_normals,
        "contact_confidence": contact_confidence,
    }


def reference(positions, scales, contact_points, contact_normals, contact_confidence):
    mu = positions
    s = jnp.exp(scales)
    # Squared Euclidean distances (argmin identical to torch.cdist argmin)
    cp_sq = jnp.sum(contact_points * contact_points, axis=1, keepdims=True)  # [P,1]
    mu_sq = jnp.sum(mu * mu, axis=1)[None, :]  # [1,N]
    d2 = cp_sq + mu_sq - 2.0 * (contact_points @ mu.T)  # [P,N]
    nn_idx = jnp.argmin(d2, axis=1)  # [P]
    mu_k = jnp.take(mu, nn_idx, axis=0)  # gather [P,3]
    s_k = jnp.take(s, nn_idx, axis=0)  # gather [P,3]
    delta = (contact_points - mu_k) / (s_k + 1e-06)
    m_norm = jnp.linalg.norm(delta, axis=-1)
    residual = (m_norm - 1.0) ** 2
    w = jnp.clip(contact_confidence, 0.0, 1.0)
    return jnp.mean(residual * w)

if __name__ == "__main__":
    import jax
    _d = setup_inputs()
    print(jax.jit(kernel)(*tuple(_d.values())))

</pallas_src>

<mosaic_0001>
#map = affine_map<(d0, d1) -> (0)>
#map1 = affine_map<(d0, d1) -> (0, 0)>
module attributes {stable_mosaic.version = 14 : i64} {
  func.func @_sc_body(%arg0: i32, %arg1: i32, %arg2: memref<4096xi32, #tpu.memory_space<hbm>>, %arg3: memref<2048x128xf32, #tpu.memory_space<hbm>>, %arg4: memref<12288xf32, #tpu.memory_space<hbm>>, %arg5: memref<4096xf32, #tpu.memory_space<hbm>>, %arg6: memref<2x16xf32, #tpu.memory_space<hbm>>, %arg7: memref<128xi32, #tpu.memory_space<vmem>>, %arg8: memref<128xi32, #tpu.memory_space<vmem>>, %arg9: memref<128x128xf32, #tpu.memory_space<vmem>>, %arg10: memref<128xf32, #tpu.memory_space<vmem>>, %arg11: memref<128xf32, #tpu.memory_space<vmem>>, %arg12: memref<128xf32, #tpu.memory_space<vmem>>, %arg13: memref<128xf32, #tpu.memory_space<vmem>>, %arg14: memref<16xf32, #tpu.memory_space<vmem>>, %arg15: memref<16x16xf32, #tpu.memory_space<vmem>>, %arg16: memref<32x16xf32, #tpu.memory_space<vmem_shared>>, %arg17: memref<!tpu.dma_semaphore, #tpu.memory_space<semaphore_mem>>) attributes {dimension_semantics = [#tpu.dimension_semantics<core_parallel>, #tpu.dimension_semantics<subcore_parallel>], iteration_bounds = array<i64: 2, 16>, scalar_prefetch = 0 : i64, scratch_operands = 11 : i64, tpu.core_type = #tpu.core_type<sc_vector_subcore>, window_params = [{transform_indices = #map}, {transform_indices = #map1}, {transform_indices = #map}, {transform_indices = #map}, {transform_indices = #map1}]} {
    %mul3A = arith.constant 2 : i32
    %mul3A_0 = arith.muli %arg1, %mul3A : i32
    %add3A = arith.addi %mul3A_0, %arg0 : i32
    %mul3A_1 = arith.constant 128 : i32
    %mul3A_2 = arith.muli %add3A, %mul3A_1 : i32
    "tpu.region"() ({
      %run_scoped3A = tpu.sem_alloc : memref<!tpu.dma_semaphore, #tpu.memory_space<semaphore_mem>>
      %dma_start3A_848 = tpu.memref_slice %arg2[%mul3A_2] : memref<4096xi32, #tpu.memory_space<hbm>> -> memref<128xi32, #tpu.memory_space<hbm>>
      %dma_start3A_849 = tpu.memref_slice %arg2[%mul3A_2] : memref<4096xi32, #tpu.memory_space<hbm>> -> memref<128xi32, #tpu.memory_space<hbm>>
      tpu.enqueue_dma source(%dma_start3A_849 : memref<128xi32, #tpu.memory_space<hbm>>) target(%arg7 : memref<128xi32, #tpu.memory_space<vmem>>) target_semaphore(%run_scoped3A : memref<!tpu.dma_semaphore, #tpu.memory_space<semaphore_mem>>)
      %dma_wait3A_850 = tpu.memref_slice %arg2[%mul3A_2] : memref<4096xi32, #tpu.memory_space<hbm>> -> memref<128xi32, #tpu.memory_space<hbm>>
      %dma_wait3A_851 = tpu.memref_slice %arg2[%mul3A_2] : memref<4096xi32, #tpu.memory_space<hbm>> -> memref<128xi32, #tpu.memory_space<hbm>>
      tpu.wait_dma2 semaphore(%run_scoped3A : memref<!tpu.dma_semaphore, #tpu.memory_space<semaphore_mem>>) src(%dma_wait3A_851 : memref<128xi32, #tpu.memory_space<hbm>>) dst(%arg7 : memref<128xi32, #tpu.memory_space<vmem>>)
      tpu.yield
    }) : () -> ()
    %get3A = arith.constant 0 : index
    %get3A_3 = tpu.vector_load %arg7[%get3A] {strides = array<i32>} : memref<128xi32, #tpu.memory_space<vmem>>, vector<16xi32>,
    %shift_right_arithmetic3A = arith.constant 3 : i32
    %shift_right_arithmetic3A_4 = vector.broadcast %shift_right_arithmetic3A : i32 to vector<16xi32>
    %shift_right_arithmetic3A_5 = arith.shrsi %get3A_3, %shift_right_arithmetic3A_4 : vector<16xi32>
    %swap3A = arith.constant 0 : index
    %swap3A_6 = tpu.vector_load %arg8[%swap3A] {strides = array<i32>} : memref<128xi32, #tpu.memory_space<vmem>>, vector<16xi32>,
    tpu.vector_store %arg8[%swap3A], %shift_right_arithmetic3A_5 {strides = array<i32>} : memref<128xi32, #tpu.memory_space<vmem>>, vector<16xi32>,
    %get3A_7 = arith.constant 16 : index
    %get3A_8 = tpu.vector_load %arg7[%get3A_7] {strides = array<i32>} : memref<128xi32, #tpu.memory_space<vmem>>, vector<16xi32>,
    %shift_right_arithmetic3A_9 = arith.constant 3 : i32
    %shift_right_arithmetic3A_10 = vector.broadcast %shift_right_arithmetic3A_9 : i32 to vector<16xi32>
    %shift_right_arithmetic3A_11 = arith.shrsi %get3A_8, %shift_right_arithmetic3A_10 : vector<16xi32>
    %swap3A_12 = arith.constant 16 : index
    %swap3A_13 = tpu.vector_load %arg8[%swap3A_12] {strides = array<i32>} : memref<128xi32, #tpu.memory_space<vmem>>, vector<16xi32>,
    tpu.vector_store %arg8[%swap3A_12], %shift_right_arithmetic3A_11 {strides = array<i32>} : memref<128xi32, #tpu.memory_space<vmem>>, vector<16xi32>,
    %get3A_14 = arith.constant 32 : index
    %get3A_15 = tpu.vector_load %arg7[%get3A_14] {strides = array<i32>} : memref<128xi32, #tpu.memory_space<vmem>>, vector<16xi32>,
    %shift_right_arithmetic3A_16 = arith.constant 3 : i32
    %shift_right_arithmetic3A_17 = vector.broadcast %shift_right_arithmetic3A_16 : i32 to vector<16xi32>
    %shift_right_arithmetic3A_18 = arith.shrsi %get3A_15, %shift_right_arithmetic3A_17 : vector<16xi32>
    %swap3A_19 = arith.constant 32 : index
    %swap3A_20 = tpu.vector_load %arg8[%swap3A_19] {strides = array<i32>} : memref<128xi32, #tpu.memory_space<vmem>>, vector<16xi32>,
    tpu.vector_store %arg8[%swap3A_19], %shift_right_arithmetic3A_18 {strides = array<i32>} : memref<128xi32, #tpu.memory_space<vmem>>, vector<16xi32>,
    %get3A_21 = arith.constant 48 : index
    %get3A_22 = tpu.vector_load %arg7[%get3A_21] {strides = array<i32>} : memref<128xi32, #tpu.memory_space<vmem>>, vector<16xi32>,
    %shift_right_arithmetic3A_23 = arith.constant 3 : i32
    %shift_right_arithmetic3A_24 = vector.broadcast %shift_right_arithmetic3A_23 : i32 to vector<16xi32>
    %shift_right_arithmetic3A_25 = arith.shrsi %get3A_22, %shift_right_arithmetic3A_24 : vector<16xi32>
    %swap3A_26 = arith.constant 48 : index
    %swap3A_27 = tpu.vector_load %arg8[%swap3A_26] {strides = array<i32>} : memref<128xi32, #tpu.memory_space<vmem>>, vector<16xi32>,
    tpu.vector_store %arg8[%swap3A_26], %shift_right_arithmetic3A_25 {strides = array<i32>} : memref<128xi32, #tpu.memory_space<vmem>>, vector<16xi32>,
    %get3A_28 = arith.constant 64 : index
    %get3A_29 = tpu.vector_load %arg7[%get3A_28] {strides = array<i32>} : memref<128xi32, #tpu.memory_space<vmem>>, vector<16xi32>,
    %shift_right_arithmetic3A_30 = arith.constant 3 : i32
    %shift_right_arithmetic3A_31 = vector.broadcast %shift_right_arithmetic3A_30 : i32 to vector<16xi32>
    %shift_right_arithmetic3A_32 = arith.shrsi %get3A_29, %shift_right_arithmetic3A_31 : vector<16xi32>
    %swap3A_33 = arith.constant 64 : index
    %swap3A_34 = tpu.vector_load %arg8[%swap3A_33] {strides = array<i32>} : memref<128xi32, #tpu.memory_space<vmem>>, vector<16xi32>,
    tpu.vector_store %arg8[%swap3A_33], %shift_right_arithmetic3A_32 {strides = array<i32>} : memref<128xi32, #tpu.memory_space<vmem>>, vector<16xi32>,
    %get3A_35 = arith.constant 80 : index
    %get3A_36 = tpu.vector_load %arg7[%get3A_35] {strides = array<i32>} : memref<128xi32, #tpu.memory_space<vmem>>, vector<16xi32>,
    %shift_right_arithmetic3A_37 = arith.constant 3 : i32
    %shift_right_arithmetic3A_38 = vector.broadcast %shift_right_arithmetic3A_37 : i32 to vector<16xi32>
    %shift_right_arithmetic3A_39 = arith.shrsi %get3A_36, %shift_right_arithmetic3A_38 : vector<16xi32>
    %swap3A_40 = arith.constant 80 : index
    %swap3A_41 = tpu.vector_load %arg8[%swap3A_40] {strides = array<i32>} : memref<128xi32, #tpu.memory_space<vmem>>, vector<16xi32>,
    tpu.vector_store %arg8[%swap3A_40], %shift_right_arithmetic3A_39 {strides = array<i32>} : memref<128xi32, #tpu.memory_space<vmem>>, vector<16xi32>,
    %get3A_42 = arith.constant 96 : index
    %get3A_43 = tpu.vector_load %arg7[%get3A_42] {strides = array<i32>} : memref<128xi32, #tpu.memory_space<vmem>>, vector<16xi32>,
    %shift_right_arithmetic3A_44 = arith.constant 3 : i32
    %shift_right_arithmetic3A_45 = vector.broadcast %shift_right_arithmetic3A_44 : i32 to vector<16xi32>
    %shift_right_arithmetic3A_46 = arith.shrsi %get3A_43, %shift_right_arithmetic3A_45 : vector<16xi32>
    %swap3A_47 = arith.constant 96 : index
    %swap3A_48 = tpu.vector_load %arg8[%swap3A_47] {strides = array<i32>} : memref<128xi32, #tpu.memory_space<vmem>>, vector<16xi32>,
    tpu.vector_store %arg8[%swap3A_47], %shift_right_arithmetic3A_46 {strides = array<i32>} : memref<128xi32, #tpu.memory_space<vmem>>, vector<16xi32>,
    %get3A_49 = arith.constant 112 : index
    %get3A_50 = tpu.vector_load %arg7[%get3A_49] {strides = array<i32>} : memref<128xi32, #tpu.memory_space<vmem>>, vector<16xi32>,
    %shift_right_arithmetic3A_51 = arith.constant 3 : i32
    %shift_right_arithmetic3A_52 = vector.broadcast %shift_right_arithmetic3A_51 : i32 to vector<16xi32>
    %shift_right_arithmetic3A_53 = arith.shrsi %get3A_50, %shift_right_arithmetic3A_52 : vector<16xi32>
    %swap3A_54 = arith.constant 112 : index
    %swap3A_55 = tpu.vector_load %arg8[%swap3A_54] {strides = array<i32>} : memref<128xi32, #tpu.memory_space<vmem>>, vector<16xi32>,
    tpu.vector_store %arg8[%swap3A_54], %shift_right_arithmetic3A_53 {strides = array<i32>} : memref<128xi32, #tpu.memory_space<vmem>>, vector<16xi32>,
    %dma_start3A = arith.constant 0 : i32
    %dma_start3A_56 = arith.constant 0 : i32
    %dma_start3A_57 = tpu.memref_slice %arg3[%dma_start3A, %dma_start3A_56] : memref<2048x128xf32, #tpu.memory_space<hbm>> -> memref<2048x128xf32, #tpu.memory_space<hbm>>
    tpu.enqueue_indirect_dma source(%dma_start3A_57 : memref<2048x128xf32, #tpu.memory_space<hbm>>) target(%arg9 : memref<128x128xf32, #tpu.memory_space<vmem>>) offsets(%arg8 : memref<128xi32, #tpu.memory_space<vmem>>) semaphore(%arg17 : memref<!tpu.dma_semaphore, #tpu.memory_space<semaphore_mem>>)
    %dma_wait3A = arith.constant 0 : i32
    %dma_wait3A_58 = arith.constant 0 : i32
    %dma_wait3A_59 = tpu.memref_slice %arg3[%dma_wait3A, %dma_wait3A_58] : memref<2048x128xf32, #tpu.memory_space<hbm>> -> memref<2048x128xf32, #tpu.memory_space<hbm>>
    tpu.wait_indirect_dma semaphore(%arg17 : memref<!tpu.dma_semaphore, #tpu.memory_space<semaphore_mem>>) src(%dma_wait3A_59 : memref<2048x128xf32, #tpu.memory_space<hbm>>) dst(%arg9 : memref<128x128xf32, #tpu.memory_space<vmem>>)
    %add3A_60 = arith.constant 0 : i32
    %add3A_61 = arith.addi %add3A_60, %mul3A_2 : i32
    "tpu.region"() ({
      %run_scoped3A = tpu.sem_alloc : memref<!tpu.dma_semaphore, #tpu.memory_space<semaphore_mem>>
      %dma_start3A_848 = tpu.memref_slice %arg4[%add3A_61] : memref<12288xf32, #tpu.memory_space<hbm>> -> memref<128xf32, #tpu.memory_space<hbm>>
      %dma_start3A_849 = tpu.memref_slice %arg4[%add3A_61] : memref<12288xf32, #tpu.memory_space<hbm>> -> memref<128xf32, #tpu.memory_space<hbm>>
      tpu.enqueue_dma source(%dma_start3A_849 : memref<128xf32, #tpu.memory_space<hbm>>) target(%arg10 : memref<128xf32, #tpu.memory_space<vmem>>) target_semaphore(%run_scoped3A : memref<!tpu.dma_semaphore, #tpu.memory_space<semaphore_mem>>)
      %dma_wait3A_850 = tpu.memref_slice %arg4[%add3A_61] : memref<12288xf32, #tpu.memory_space<hbm>> -> memref<128xf32, #tpu.memory_space<hbm>>
      %dma_wait3A_851 = tpu.memref_slice %arg4[%add3A_61] : memref<12288xf32, #tpu.memory_space<hbm>> -> memref<128xf32, #tpu.memory_space<hbm>>
      tpu.wait_dma2 semaphore(%run_scoped3A : memref<!tpu.dma_semaphore, #tpu.memory_space<semaphore_mem>>) src(%dma_wait3A_851 : memref<128xf32, #tpu.memory_space<hbm>>) dst(%arg10 : memref<128xf32, #tpu.memory_space<vmem>>)
      tpu.yield
    }) : () -> ()
    %add3A_62 = arith.constant 4096 : i32
    %add3A_63 = arith.addi %add3A_62, %mul3A_2 : i32
    "tpu.region"() ({
      %run_scoped3A = tpu.sem_alloc : memref<!tpu.dma_semaphore, #tpu.memory_space<semaphore_mem>>
      %dma_start3A_848 = tpu.memref_slice %arg4[%add3A_63] : memref<12288xf32, #tpu.memory_space<hbm>> -> memref<128xf32, #tpu.memory_space<hbm>>
      %dma_start3A_849 = tpu.memref_slice %arg4[%add3A_63] : memref<12288xf32, #tpu.memory_space<hbm>> -> memref<128xf32, #tpu.memory_space<hbm>>
      tpu.enqueue_dma source(%dma_start3A_849 : memref<128xf32, #tpu.memory_space<hbm>>) target(%arg11 : memref<128xf32, #tpu.memory_space<vmem>>) target_semaphore(%run_scoped3A : memref<!tpu.dma_semaphore, #tpu.memory_space<semaphore_mem>>)
      %dma_wait3A_850 = tpu.memref_slice %arg4[%add3A_63] : memref<12288xf32, #tpu.memory_space<hbm>> -> memref<128xf32, #tpu.memory_space<hbm>>
      %dma_wait3A_851 = tpu.memref_slice %arg4[%add3A_63] : memref<12288xf32, #tpu.memory_space<hbm>> -> memref<128xf32, #tpu.memory_space<hbm>>
      tpu.wait_dma2 semaphore(%run_scoped3A : memref<!tpu.dma_semaphore, #tpu.memory_space<semaphore_mem>>) src(%dma_wait3A_851 : memref<128xf32, #tpu.memory_space<hbm>>) dst(%arg11 : memref<128xf32, #tpu.memory_space<vmem>>)
      tpu.yield
    }) : () -> ()
    %add3A_64 = arith.constant 8192 : i32
    %add3A_65 = arith.addi %add3A_64, %mul3A_2 : i32
    "tpu.region"() ({
      %run_scoped3A = tpu.sem_alloc : memref<!tpu.dma_semaphore, #tpu.memory_space<semaphore_mem>>
      %dma_start3A_848 = tpu.memref_slice %arg4[%add3A_65] : memref<12288xf32, #tpu.memory_space<hbm>> -> memref<128xf32, #tpu.memory_space<hbm>>
      %dma_start3A_849 = tpu.memref_slice %arg4[%add3A_65] : memref<12288xf32, #tpu.memory_space<hbm>> -> memref<128xf32, #tpu.memory_space<hbm>>
      tpu.enqueue_dma source(%dma_start3A_849 : memref<128xf32, #tpu.memory_space<hbm>>) target(%arg12 : memref<128xf32, #tpu.memory_space<vmem>>) target_semaphore(%run_scoped3A : memref<!tpu.dma_semaphore, #tpu.memory_space<semaphore_mem>>)
      %dma_wait3A_850 = tpu.memref_slice %arg4[%add3A_65] : memref<12288xf32, #tpu.memory_space<hbm>> -> memref<128xf32, #tpu.memory_space<hbm>>
      %dma_wait3A_851 = tpu.memref_slice %arg4[%add3A_65] : memref<12288xf32, #tpu.memory_space<hbm>> -> memref<128xf32, #tpu.memory_space<hbm>>
      tpu.wait_dma2 semaphore(%run_scoped3A : memref<!tpu.dma_semaphore, #tpu.memory_space<semaphore_mem>>) src(%dma_wait3A_851 : memref<128xf32, #tpu.memory_space<hbm>>) dst(%arg12 : memref<128xf32, #tpu.memory_space<vmem>>)
      tpu.yield
    }) : () -> ()
    "tpu.region"() ({
      %run_scoped3A = tpu.sem_alloc : memref<!tpu.dma_semaphore, #tpu.memory_space<semaphore_mem>>
      %dma_start3A_848 = tpu.memref_slice %arg5[%mul3A_2] : memref<4096xf32, #tpu.memory_space<hbm>> -> memref<128xf32, #tpu.memory_space<hbm>>
      %dma_start3A_849 = tpu.memref_slice %arg5[%mul3A_2] : memref<4096xf32, #tpu.memory_space<hbm>> -> memref<128xf32, #tpu.memory_space<hbm>>
      tpu.enqueue_dma source(%dma_start3A_849 : memref<128xf32, #tpu.memory_space<hbm>>) target(%arg13 : memref<128xf32, #tpu.memory_space<vmem>>) target_semaphore(%run_scoped3A : memref<!tpu.dma_semaphore, #tpu.memory_space<semaphore_mem>>)
      %dma_wait3A_850 = tpu.memref_slice %arg5[%mul3A_2] : memref<4096xf32, #tpu.memory_space<hbm>> -> memref<128xf32, #tpu.memory_space<hbm>>
      %dma_wait3A_851 = tpu.memref_slice %arg5[%mul3A_2] : memref<4096xf32, #tpu.memory_space<hbm>> -> memref<128xf32, #tpu.memory_space<hbm>>
      tpu.wait_dma2 semaphore(%run_scoped3A : memref<!tpu.dma_semaphore, #tpu.memory_space<semaphore_mem>>) src(%dma_wait3A_851 : memref<128xf32, #tpu.memory_space<hbm>>) dst(%arg13 : memref<128xf32, #tpu.memory_space<vmem>>)
      tpu.yield
    }) : () -> ()
    %broadcast_in_dim3A = arith.constant 0.000000e+00 : f32
    %broadcast_in_dim3A_66 = vector.broadcast %broadcast_in_dim3A : f32 to vector<16xf32>
    %iota3A = tpu.iota {dimensions = array<i32: 0>} : vector<16xi32>
    %add3A_67 = arith.constant 0 : i32
    %add3A_68 = vector.broadcast %add3A_67 : i32 to vector<16xi32>
    %add3A_69 = arith.addi %iota3A, %add3A_68 : vector<16xi32>
    %get3A_70 = arith.constant 0 : index
    %get3A_71 = tpu.vector_load %arg7[%get3A_70] {strides = array<i32>} : memref<128xi32, #tpu.memory_space<vmem>>, vector<16xi32>,
    %and3A = arith.constant 7 : i32
    %and3A_72 = vector.broadcast %and3A : i32 to vector<16xi32>
    %and3A_73 = arith.andi %get3A_71, %and3A_72 : vector<16xi32>
    %shift_left3A = arith.constant 4 : i32
    %shift_left3A_74 = vector.broadcast %shift_left3A : i32 to vector<16xi32>
    %shift_left3A_75 = arith.shli %and3A_73, %shift_left3A_74 : vector<16xi32>
    %gather3A = tpu.vector_load_idx %arg9[%add3A_69, %shift_left3A_75] : memref<128x128xf32, #tpu.memory_space<vmem>>[vector<16xi32>, vector<16xi32>], vector<16xf32>,
    %add3A_76 = arith.constant 1 : i32
    %add3A_77 = vector.broadcast %add3A_76 : i32 to vector<16xi32>
    %add3A_78 = arith.addi %shift_left3A_75, %add3A_77 : vector<16xi32>
    %gather3A_79 = tpu.vector_load_idx %arg9[%add3A_69, %add3A_78] : memref<128x128xf32, #tpu.memory_space<vmem>>[vector<16xi32>, vector<16xi32>], vector<16xf32>,
    %add3A_80 = arith.constant 2 : i32
    %add3A_81 = vector.broadcast %add3A_80 : i32 to vector<16xi32>
    %add3A_82 = arith.addi %shift_left3A_75, %add3A_81 : vector<16xi32>
    %gather3A_83 = tpu.vector_load_idx %arg9[%add3A_69, %add3A_82] : memref<128x128xf32, #tpu.memory_space<vmem>>[vector<16xi32>, vector<16xi32>], vector<16xf32>,
    %add3A_84 = arith.constant 3 : i32
    %add3A_85 = vector.broadcast %add3A_84 : i32 to vector<16xi32>
    %add3A_86 = arith.addi %shift_left3A_75, %add3A_85 : vector<16xi32>
    %gather3A_87 = tpu.vector_load_idx %arg9[%add3A_69, %add3A_86] : memref<128x128xf32, #tpu.memory_space<vmem>>[vector<16xi32>, vector<16xi32>], vector<16xf32>,
    %add3A_88 = arith.constant 4 : i32
    %add3A_89 = vector.broadcast %add3A_88 : i32 to vector<16xi32>
    %add3A_90 = arith.addi %shift_left3A_75, %add3A_89 : vector<16xi32>
    %gather3A_91 = tpu.vector_load_idx %arg9[%add3A_69, %add3A_90] : memref<128x128xf32, #tpu.memory_space<vmem>>[vector<16xi32>, vector<16xi32>], vector<16xf32>,
    %add3A_92 = arith.constant 5 : i32
    %add3A_93 = vector.broadcast %add3A_92 : i32 to vector<16xi32>
    %add3A_94 = arith.addi %shift_left3A_75, %add3A_93 : vector<16xi32>
    %gather3A_95 = tpu.vector_load_idx %arg9[%add3A_69, %add3A_94] : memref<128x128xf32, #tpu.memory_space<vmem>>[vector<16xi32>, vector<16xi32>], vector<16xf32>,
    %get3A_96 = arith.constant 0 : index
    %get3A_97 = tpu.vector_load %arg10[%get3A_96] {strides = array<i32>} : memref<128xf32, #tpu.memory_space<vmem>>, vector<16xf32>,
    %sub3A = arith.subf %get3A_97, %gather3A : vector<16xf32>
    %exp3A = math.exp %gather3A_87 : vector<16xf32>
    %add3A_98 = arith.constant 9.99999997E-7 : f32
    %add3A_99 = vector.broadcast %add3A_98 : f32 to vector<16xf32>
    %add3A_100 = arith.addf %exp3A, %add3A_99 : vector<16xf32>
    %div3A = arith.divf %sub3A, %add3A_100 : vector<16xf32>
    %get3A_101 = arith.constant 0 : index
    %get3A_102 = tpu.vector_load %arg11[%get3A_101] {strides = array<i32>} : memref<128xf32, #tpu.memory_space<vmem>>, vector<16xf32>,
    %sub3A_103 = arith.subf %get3A_102, %gather3A_79 : vector<16xf32>
    %exp3A_104 = math.exp %gather3A_91 : vector<16xf32>
    %add3A_105 = arith.constant 9.99999997E-7 : f32
    %add3A_106 = vector.broadcast %add3A_105 : f32 to vector<16xf32>
    %add3A_107 = arith.addf %exp3A_104, %add3A_106 : vector<16xf32>
    %div3A_108 = arith.divf %sub3A_103, %add3A_107 : vector<16xf32>
    %get3A_109 = arith.constant 0 : index
    %get3A_110 = tpu.vector_load %arg12[%get3A_109] {strides = array<i32>} : memref<128xf32, #tpu.memory_space<vmem>>, vector<16xf32>,
    %sub3A_111 = arith.subf %get3A_110, %gather3A_83 : vector<16xf32>
    %exp3A_112 = math.exp %gather3A_95 : vector<16xf32>
    %add3A_113 = arith.constant 9.99999997E-7 : f32
    %add3A_114 = vector.broadcast %add3A_113 : f32 to vector<16xf32>
    %add3A_115 = arith.addf %exp3A_112, %add3A_114 : vector<16xf32>
    %div3A_116 = arith.divf %sub3A_111, %add3A_115 : vector<16xf32>
    %mul3A_117 = arith.mulf %div3A, %div3A : vector<16xf32>
    %mul3A_118 = arith.mulf %div3A_108, %div3A_108 : vector<16xf32>
    %add3A_119 = arith.addf %mul3A_117, %mul3A_118 : vector<16xf32>
    %mul3A_120 = arith.mulf %div3A_116, %div3A_116 : vector<16xf32>
    %add3A_121 = arith.addf %add3A_119, %mul3A_120 : vector<16xf32>
    %bitcast3A = vector.bitcast %add3A_121 : vector<16xf32> to vector<16xi32>
    %shift_right_arithmetic3A_122 = arith.constant 1 : i32
    %shift_right_arithmetic3A_123 = vector.broadcast %shift_right_arithmetic3A_122 : i32 to vector<16xi32>
    %shift_right_arithmetic3A_124 = arith.shrsi %bitcast3A, %shift_right_arithmetic3A_123 : vector<16xi32>
    %add3A_125 = arith.constant 532487669 : i32
    %add3A_126 = vector.broadcast %add3A_125 : i32 to vector<16xi32>
    %add3A_127 = arith.addi %shift_right_arithmetic3A_124, %add3A_126 : vector<16xi32>
    %bitcast3A_128 = vector.bitcast %add3A_127 : vector<16xi32> to vector<16xf32>
    %div3A_129 = arith.divf %add3A_121, %bitcast3A_128 : vector<16xf32>
    %add3A_130 = arith.addf %bitcast3A_128, %div3A_129 : vector<16xf32>
    %mul3A_131 = arith.constant 5.000000e-01 : f32
    %mul3A_132 = vector.broadcast %mul3A_131 : f32 to vector<16xf32>
    %mul3A_133 = arith.mulf %mul3A_132, %add3A_130 : vector<16xf32>
    %div3A_134 = arith.divf %add3A_121, %mul3A_133 : vector<16xf32>
    %add3A_135 = arith.addf %mul3A_133, %div3A_134 : vector<16xf32>
    %mul3A_136 = arith.constant 5.000000e-01 : f32
    %mul3A_137 = vector.broadcast %mul3A_136 : f32 to vector<16xf32>
    %mul3A_138 = arith.mulf %mul3A_137, %add3A_135 : vector<16xf32>
    %div3A_139 = arith.divf %add3A_121, %mul3A_138 : vector<16xf32>
    %add3A_140 = arith.addf %mul3A_138, %div3A_139 : vector<16xf32>
    %mul3A_141 = arith.constant 5.000000e-01 : f32
    %mul3A_142 = vector.broadcast %mul3A_141 : f32 to vector<16xf32>
    %mul3A_143 = arith.mulf %mul3A_142, %add3A_140 : vector<16xf32>
    %sub3A_144 = arith.constant 1.000000e+00 : f32
    %sub3A_145 = vector.broadcast %sub3A_144 : f32 to vector<16xf32>
    %sub3A_146 = arith.subf %mul3A_143, %sub3A_145 : vector<16xf32>
    %get3A_147 = arith.constant 0 : index
    %get3A_148 = tpu.vector_load %arg13[%get3A_147] {strides = array<i32>} : memref<128xf32, #tpu.memory_space<vmem>>, vector<16xf32>,
    %max3A = arith.constant 0.000000e+00 : f32
    %max3A_149 = vector.broadcast %max3A : f32 to vector<16xf32>
    %max3A_150 = arith.maximumf %get3A_148, %max3A_149 : vector<16xf32>
    %min3A = arith.constant 1.000000e+00 : f32
    %min3A_151 = vector.broadcast %min3A : f32 to vector<16xf32>
    %min3A_152 = arith.minimumf %max3A_150, %min3A_151 : vector<16xf32>
    %mul3A_153 = arith.mulf %sub3A_146, %sub3A_146 : vector<16xf32>
    %mul3A_154 = arith.mulf %mul3A_153, %min3A_152 : vector<16xf32>
    %add3A_155 = arith.addf %broadcast_in_dim3A_66, %mul3A_154 : vector<16xf32>
    %add3A_156 = arith.constant 16 : i32
    %add3A_157 = vector.broadcast %add3A_156 : i32 to vector<16xi32>
    %add3A_158 = arith.addi %iota3A, %add3A_157 : vector<16xi32>
    %get3A_159 = arith.constant 16 : index
    %get3A_160 = tpu.vector_load %arg7[%get3A_159] {strides = array<i32>} : memref<128xi32, #tpu.memory_space<vmem>>, vector<16xi32>,
    %and3A_161 = arith.constant 7 : i32
    %and3A_162 = vector.broadcast %and3A_161 : i32 to vector<16xi32>
    %and3A_163 = arith.andi %get3A_160, %and3A_162 : vector<16xi32>
    %shift_left3A_164 = arith.constant 4 : i32
    %shift_left3A_165 = vector.broadcast %shift_left3A_164 : i32 to vector<16xi32>
    %shift_left3A_166 = arith.shli %and3A_163, %shift_left3A_165 : vector<16xi32>
    %gather3A_167 = tpu.vector_load_idx %arg9[%add3A_158, %shift_left3A_166] : memref<128x128xf32, #tpu.memory_space<vmem>>[vector<16xi32>, vector<16xi32>], vector<16xf32>,
    %add3A_168 = arith.constant 1 : i32
    %add3A_169 = vector.broadcast %add3A_168 : i32 to vector<16xi32>
    %add3A_170 = arith.addi %shift_left3A_166, %add3A_169 : vector<16xi32>
    %gather3A_171 = tpu.vector_load_idx %arg9[%add3A_158, %add3A_170] : memref<128x128xf32, #tpu.memory_space<vmem>>[vector<16xi32>, vector<16xi32>], vector<16xf32>,
    %add3A_172 = arith.constant 2 : i32
    %add3A_173 = vector.broadcast %add3A_172 : i32 to vector<16xi32>
    %add3A_174 = arith.addi %shift_left3A_166, %add3A_173 : vector<16xi32>
    %gather3A_175 = tpu.vector_load_idx %arg9[%add3A_158, %add3A_174] : memref<128x128xf32, #tpu.memory_space<vmem>>[vector<16xi32>, vector<16xi32>], vector<16xf32>,
    %add3A_176 = arith.constant 3 : i32
    %add3A_177 = vector.broadcast %add3A_176 : i32 to vector<16xi32>
    %add3A_178 = arith.addi %shift_left3A_166, %add3A_177 : vector<16xi32>
    %gather3A_179 = tpu.vector_load_idx %arg9[%add3A_158, %add3A_178] : memref<128x128xf32, #tpu.memory_space<vmem>>[vector<16xi32>, vector<16xi32>], vector<16xf32>,
    %add3A_180 = arith.constant 4 : i32
    %add3A_181 = vector.broadcast %add3A_180 : i32 to vector<16xi32>
    %add3A_182 = arith.addi %shift_left3A_166, %add3A_181 : vector<16xi32>
    %gather3A_183 = tpu.vector_load_idx %arg9[%add3A_158, %add3A_182] : memref<128x128xf32, #tpu.memory_space<vmem>>[vector<16xi32>, vector<16xi32>], vector<16xf32>,
    %add3A_184 = arith.constant 5 : i32
    %add3A_185 = vector.broadcast %add3A_184 : i32 to vector<16xi32>
    %add3A_186 = arith.addi %shift_left3A_166, %add3A_185 : vector<16xi32>
    %gather3A_187 = tpu.vector_load_idx %arg9[%add3A_158, %add3A_186] : memref<128x128xf32, #tpu.memory_space<vmem>>[vector<16xi32>, vector<16xi32>], vector<16xf32>,
    %get3A_188 = arith.constant 16 : index
    %get3A_189 = tpu.vector_load %arg10[%get3A_188] {strides = array<i32>} : memref<128xf32, #tpu.memory_space<vmem>>, vector<16xf32>,
    %sub3A_190 = arith.subf %get3A_189, %gather3A_167 : vector<16xf32>
    %exp3A_191 = math.exp %gather3A_179 : vector<16xf32>
    %add3A_192 = arith.constant 9.99999997E-7 : f32
    %add3A_193 = vector.broadcast %add3A_192 : f32 to vector<16xf32>
    %add3A_194 = arith.addf %exp3A_191, %add3A_193 : vector<16xf32>
    %div3A_195 = arith.divf %sub3A_190, %add3A_194 : vector<16xf32>
    %get3A_196 = arith.constant 16 : index
    %get3A_197 = tpu.vector_load %arg11[%get3A_196] {strides = array<i32>} : memref<128xf32, #tpu.memory_space<vmem>>, vector<16xf32>,
    %sub3A_198 = arith.subf %get3A_197, %gather3A_171 : vector<16xf32>
    %exp3A_199 = math.exp %gather3A_183 : vector<16xf32>
    %add3A_200 = arith.constant 9.99999997E-7 : f32
    %add3A_201 = vector.broadcast %add3A_200 : f32 to vector<16xf32>
    %add3A_202 = arith.addf %exp3A_199, %add3A_201 : vector<16xf32>
    %div3A_203 = arith.divf %sub3A_198, %add3A_202 : vector<16xf32>
    %get3A_204 = arith.constant 16 : index
    %get3A_205 = tpu.vector_load %arg12[%get3A_204] {strides = array<i32>} : memref<128xf32, #tpu.memory_space<vmem>>, vector<16xf32>,
    %sub3A_206 = arith.subf %get3A_205, %gather3A_175 : vector<16xf32>
    %exp3A_207 = math.exp %gather3A_187 : vector<16xf32>
    %add3A_208 = arith.constant 9.99999997E-7 : f32
    %add3A_209 = vector.broadcast %add3A_208 : f32 to vector<16xf32>
    %add3A_210 = arith.addf %exp3A_207, %add3A_209 : vector<16xf32>
    %div3A_211 = arith.divf %sub3A_206, %add3A_210 : vector<16xf32>
    %mul3A_212 = arith.mulf %div3A_195, %div3A_195 : vector<16xf32>
    %mul3A_213 = arith.mulf %div3A_203, %div3A_203 : vector<16xf32>
    %add3A_214 = arith.addf %mul3A_212, %mul3A_213 : vector<16xf32>
    %mul3A_215 = arith.mulf %div3A_211, %div3A_211 : vector<16xf32>
    %add3A_216 = arith.addf %add3A_214, %mul3A_215 : vector<16xf32>
    %bitcast3A_217 = vector.bitcast %add3A_216 : vector<16xf32> to vector<16xi32>
    %shift_right_arithmetic3A_218 = arith.constant 1 : i32
    %shift_right_arithmetic3A_219 = vector.broadcast %shift_right_arithmetic3A_218 : i32 to vector<16xi32>
    %shift_right_arithmetic3A_220 = arith.shrsi %bitcast3A_217, %shift_right_arithmetic3A_219 : vector<16xi32>
    %add3A_221 = arith.constant 532487669 : i32
    %add3A_222 = vector.broadcast %add3A_221 : i32 to vector<16xi32>
    %add3A_223 = arith.addi %shift_right_arithmetic3A_220, %add3A_222 : vector<16xi32>
    %bitcast3A_224 = vector.bitcast %add3A_223 : vector<16xi32> to vector<16xf32>
    %div3A_225 = arith.divf %add3A_216, %bitcast3A_224 : vector<16xf32>
    %add3A_226 = arith.addf %bitcast3A_224, %div3A_225 : vector<16xf32>
    %mul3A_227 = arith.constant 5.000000e-01 : f32
    %mul3A_228 = vector.broadcast %mul3A_227 : f32 to vector<16xf32>
    %mul3A_229 = arith.mulf %mul3A_228, %add3A_226 : vector<16xf32>
    %div3A_230 = arith.divf %add3A_216, %mul3A_229 : vector<16xf32>
    %add3A_231 = arith.addf %mul3A_229, %div3A_230 : vector<16xf32>
    %mul3A_232 = arith.constant 5.000000e-01 : f32
    %mul3A_233 = vector.broadcast %mul3A_232 : f32 to vector<16xf32>
    %mul3A_234 = arith.mulf %mul3A_233, %add3A_231 : vector<16xf32>
    %div3A_235 = arith.divf %add3A_216, %mul3A_234 : vector<16xf32>
    %add3A_236 = arith.addf %mul3A_234, %div3A_235 : vector<16xf32>
    %mul3A_237 = arith.constant 5.000000e-01 : f32
    %mul3A_238 = vector.broadcast %mul3A_237 : f32 to vector<16xf32>
    %mul3A_239 = arith.mulf %mul3A_238, %add3A_236 : vector<16xf32>
    %sub3A_240 = arith.constant 1.000000e+00 : f32
    %sub3A_241 = vector.broadcast %sub3A_240 : f32 to vector<16xf32>
    %sub3A_242 = arith.subf %mul3A_239, %sub3A_241 : vector<16xf32>
    %get3A_243 = arith.constant 16 : index
    %get3A_244 = tpu.vector_load %arg13[%get3A_243] {strides = array<i32>} : memref<128xf32, #tpu.memory_space<vmem>>, vector<16xf32>,
    %max3A_245 = arith.constant 0.000000e+00 : f32
    %max3A_246 = vector.broadcast %max3A_245 : f32 to vector<16xf32>
    %max3A_247 = arith.maximumf %get3A_244, %max3A_246 : vector<16xf32>
    %min3A_248 = arith.constant 1.000000e+00 : f32
    %min3A_249 = vector.broadcast %min3A_248 : f32 to vector<16xf32>
    %min3A_250 = arith.minimumf %max3A_247, %min3A_249 : vector<16xf32>
    %mul3A_251 = arith.mulf %sub3A_242, %sub3A_242 : vector<16xf32>
    %mul3A_252 = arith.mulf %mul3A_251, %min3A_250 : vector<16xf32>
    %add3A_253 = arith.addf %add3A_155, %mul3A_252 : vector<16xf32>
    %add3A_254 = arith.constant 32 : i32
    %add3A_255 = vector.broadcast %add3A_254 : i32 to vector<16xi32>
    %add3A_256 = arith.addi %iota3A, %add3A_255 : vector<16xi32>
    %get3A_257 = arith.constant 32 : index
    %get3A_258 = tpu.vector_load %arg7[%get3A_257] {strides = array<i32>} : memref<128xi32, #tpu.memory_space<vmem>>, vector<16xi32>,
    %and3A_259 = arith.constant 7 : i32
    %and3A_260 = vector.broadcast %and3A_259 : i32 to vector<16xi32>
    %and3A_261 = arith.andi %get3A_258, %and3A_260 : vector<16xi32>
    %shift_left3A_262 = arith.constant 4 : i32
    %shift_left3A_263 = vector.broadcast %shift_left3A_262 : i32 to vector<16xi32>
    %shift_left3A_264 = arith.shli %and3A_261, %shift_left3A_263 : vector<16xi32>
    %gather3A_265 = tpu.vector_load_idx %arg9[%add3A_256, %shift_left3A_264] : memref<128x128xf32, #tpu.memory_space<vmem>>[vector<16xi32>, vector<16xi32>], vector<16xf32>,
    %add3A_266 = arith.constant 1 : i32
    %add3A_267 = vector.broadcast %add3A_266 : i32 to vector<16xi32>
    %add3A_268 = arith.addi %shift_left3A_264, %add3A_267 : vector<16xi32>
    %gather3A_269 = tpu.vector_load_idx %arg9[%add3A_256, %add3A_268] : memref<128x128xf32, #tpu.memory_space<vmem>>[vector<16xi32>, vector<16xi32>], vector<16xf32>,
    %add3A_270 = arith.constant 2 : i32
    %add3A_271 = vector.broadcast %add3A_270 : i32 to vector<16xi32>
    %add3A_272 = arith.addi %shift_left3A_264, %add3A_271 : vector<16xi32>
    %gather3A_273 = tpu.vector_load_idx %arg9[%add3A_256, %add3A_272] : memref<128x128xf32, #tpu.memory_space<vmem>>[vector<16xi32>, vector<16xi32>], vector<16xf32>,
    %add3A_274 = arith.constant 3 : i32
    %add3A_275 = vector.broadcast %add3A_274 : i32 to vector<16xi32>
    %add3A_276 = arith.addi %shift_left3A_264, %add3A_275 : vector<16xi32>
    %gather3A_277 = tpu.vector_load_idx %arg9[%add3A_256, %add3A_276] : memref<128x128xf32, #tpu.memory_space<vmem>>[vector<16xi32>, vector<16xi32>], vector<16xf32>,
    %add3A_278 = arith.constant 4 : i32
    %add3A_279 = vector.broadcast %add3A_278 : i32 to vector<16xi32>
    %add3A_280 = arith.addi %shift_left3A_264, %add3A_279 : vector<16xi32>
    %gather3A_281 = tpu.vector_load_idx %arg9[%add3A_256, %add3A_280] : memref<128x128xf32, #tpu.memory_space<vmem>>[vector<16xi32>, vector<16xi32>], vector<16xf32>,
    %add3A_282 = arith.constant 5 : i32
    %add3A_283 = vector.broadcast %add3A_282 : i32 to vector<16xi32>
    %add3A_284 = arith.addi %shift_left3A_264, %add3A_283 : vector<16xi32>
    %gather3A_285 = tpu.vector_load_idx %arg9[%add3A_256, %add3A_284] : memref<128x128xf32, #tpu.memory_space<vmem>>[vector<16xi32>, vector<16xi32>], vector<16xf32>,
    %get3A_286 = arith.constant 32 : index
    %get3A_287 = tpu.vector_load %arg10[%get3A_286] {strides = array<i32>} : memref<128xf32, #tpu.memory_space<vmem>>, vector<16xf32>,
    %sub3A_288 = arith.subf %get3A_287, %gather3A_265 : vector<16xf32>
    %exp3A_289 = math.exp %gather3A_277 : vector<16xf32>
    %add3A_290 = arith.constant 9.99999997E-7 : f32
    %add3A_291 = vector.broadcast %add3A_290 : f32 to vector<16xf32>
    %add3A_292 = arith.addf %exp3A_289, %add3A_291 : vector<16xf32>
    %div3A_293 = arith.divf %sub3A_288, %add3A_292 : vector<16xf32>
    %get3A_294 = arith.constant 32 : index
    %get3A_295 = tpu.vector_load %arg11[%get3A_294] {strides = array<i32>} : memref<128xf32, #tpu.memory_space<vmem>>, vector<16xf32>,
    %sub3A_296 = arith.subf %get3A_295, %gather3A_269 : vector<16xf32>
    %exp3A_297 = math.exp %gather3A_281 : vector<16xf32>
    %add3A_298 = arith.constant 9.99999997E-7 : f32
    %add3A_299 = vector.broadcast %add3A_298 : f32 to vector<16xf32>
    %add3A_300 = arith.addf %exp3A_297, %add3A_299 : vector<16xf32>
    %div3A_301 = arith.divf %sub3A_296, %add3A_300 : vector<16xf32>
    %get3A_302 = arith.constant 32 : index
    %get3A_303 = tpu.vector_load %arg12[%get3A_302] {strides = array<i32>} : memref<128xf32, #tpu.memory_space<vmem>>, vector<16xf32>,
    %sub3A_304 = arith.subf %get3A_303, %gather3A_273 : vector<16xf32>
    %exp3A_305 = math.exp %gather3A_285 : vector<16xf32>
    %add3A_306 = arith.constant 9.99999997E-7 : f32
    %add3A_307 = vector.broadcast %add3A_306 : f32 to vector<16xf32>
    %add3A_308 = arith.addf %exp3A_305, %add3A_307 : vector<16xf32>
    %div3A_309 = arith.divf %sub3A_304, %add3A_308 : vector<16xf32>
    %mul3A_310 = arith.mulf %div3A_293, %div3A_293 : vector<16xf32>
    %mul3A_311 = arith.mulf %div3A_301, %div3A_301 : vector<16xf32>
    %add3A_312 = arith.addf %mul3A_310, %mul3A_311 : vector<16xf32>
    %mul3A_313 = arith.mulf %div3A_309, %div3A_309 : vector<16xf32>
    %add3A_314 = arith.addf %add3A_312, %mul3A_313 : vector<16xf32>
    %bitcast3A_315 = vector.bitcast %add3A_314 : vector<16xf32> to vector<16xi32>
    %shift_right_arithmetic3A_316 = arith.constant 1 : i32
    %shift_right_arithmetic3A_317 = vector.broadcast %shift_right_arithmetic3A_316 : i32 to vector<16xi32>
    %shift_right_arithmetic3A_318 = arith.shrsi %bitcast3A_315, %shift_right_arithmetic3A_317 : vector<16xi32>
    %add3A_319 = arith.constant 532487669 : i32
    %add3A_320 = vector.broadcast %add3A_319 : i32 to vector<16xi32>
    %add3A_321 = arith.addi %shift_right_arithmetic3A_318, %add3A_320 : vector<16xi32>
    %bitcast3A_322 = vector.bitcast %add3A_321 : vector<16xi32> to vector<16xf32>
    %div3A_323 = arith.divf %add3A_314, %bitcast3A_322 : vector<16xf32>
    %add3A_324 = arith.addf %bitcast3A_322, %div3A_323 : vector<16xf32>
    %mul3A_325 = arith.constant 5.000000e-01 : f32
    %mul3A_326 = vector.broadcast %mul3A_325 : f32 to vector<16xf32>
    %mul3A_327 = arith.mulf %mul3A_326, %add3A_324 : vector<16xf32>
    %div3A_328 = arith.divf %add3A_314, %mul3A_327 : vector<16xf32>
    %add3A_329 = arith.addf %mul3A_327, %div3A_328 : vector<16xf32>
    %mul3A_330 = arith.constant 5.000000e-01 : f32
    %mul3A_331 = vector.broadcast %mul3A_330 : f32 to vector<16xf32>
    %mul3A_332 = arith.mulf %mul3A_331, %add3A_329 : vector<16xf32>
    %div3A_333 = arith.divf %add3A_314, %mul3A_332 : vector<16xf32>
    %add3A_334 = arith.addf %mul3A_332, %div3A_333 : vector<16xf32>
    %mul3A_335 = arith.constant 5.000000e-01 : f32
    %mul3A_336 = vector.broadcast %mul3A_335 : f32 to vector<16xf32>
    %mul3A_337 = arith.mulf %mul3A_336, %add3A_334 : vector<16xf32>
    %sub3A_338 = arith.constant 1.000000e+00 : f32
    %sub3A_339 = vector.broadcast %sub3A_338 : f32 to vector<16xf32>
    %sub3A_340 = arith.subf %mul3A_337, %sub3A_339 : vector<16xf32>
    %get3A_341 = arith.constant 32 : index
    %get3A_342 = tpu.vector_load %arg13[%get3A_341] {strides = array<i32>} : memref<128xf32, #tpu.memory_space<vmem>>, vector<16xf32>,
    %max3A_343 = arith.constant 0.000000e+00 : f32
    %max3A_344 = vector.broadcast %max3A_343 : f32 to vector<16xf32>
    %max3A_345 = arith.maximumf %get3A_342, %max3A_344 : vector<16xf32>
    %min3A_346 = arith.constant 1.000000e+00 : f32
    %min3A_347 = vector.broadcast %min3A_346 : f32 to vector<16xf32>
    %min3A_348 = arith.minimumf %max3A_345, %min3A_347 : vector<16xf32>
    %mul3A_349 = arith.mulf %sub3A_340, %sub3A_340 : vector<16xf32>
    %mul3A_350 = arith.mulf %mul3A_349, %min3A_348 : vector<16xf32>
    %add3A_351 = arith.addf %add3A_253, %mul3A_350 : vector<16xf32>
    %add3A_352 = arith.constant 48 : i32
    %add3A_353 = vector.broadcast %add3A_352 : i32 to vector<16xi32>
    %add3A_354 = arith.addi %iota3A, %add3A_353 : vector<16xi32>
    %get3A_355 = arith.constant 48 : index
    %get3A_356 = tpu.vector_load %arg7[%get3A_355] {strides = array<i32>} : memref<128xi32, #tpu.memory_space<vmem>>, vector<16xi32>,
    %and3A_357 = arith.constant 7 : i32
    %and3A_358 = vector.broadcast %and3A_357 : i32 to vector<16xi32>
    %and3A_359 = arith.andi %get3A_356, %and3A_358 : vector<16xi32>
    %shift_left3A_360 = arith.constant 4 : i32
    %shift_left3A_361 = vector.broadcast %shift_left3A_360 : i32 to vector<16xi32>
    %shift_left3A_362 = arith.shli %and3A_359, %shift_left3A_361 : vector<16xi32>
    %gather3A_363 = tpu.vector_load_idx %arg9[%add3A_354, %shift_left3A_362] : memref<128x128xf32, #tpu.memory_space<vmem>>[vector<16xi32>, vector<16xi32>], vector<16xf32>,
    %add3A_364 = arith.constant 1 : i32
    %add3A_365 = vector.broadcast %add3A_364 : i32 to vector<16xi32>
    %add3A_366 = arith.addi %shift_left3A_362, %add3A_365 : vector<16xi32>
    %gather3A_367 = tpu.vector_load_idx %arg9[%add3A_354, %add3A_366] : memref<128x128xf32, #tpu.memory_space<vmem>>[vector<16xi32>, vector<16xi32>], vector<16xf32>,
    %add3A_368 = arith.constant 2 : i32
    %add3A_369 = vector.broadcast %add3A_368 : i32 to vector<16xi32>
    %add3A_370 = arith.addi %shift_left3A_362, %add3A_369 : vector<16xi32>
    %gather3A_371 = tpu.vector_load_idx %arg9[%add3A_354, %add3A_370] : memref<128x128xf32, #tpu.memory_space<vmem>>[vector<16xi32>, vector<16xi32>], vector<16xf32>,
    %add3A_372 = arith.constant 3 : i32
    %add3A_373 = vector.broadcast %add3A_372 : i32 to vector<16xi32>
    %add3A_374 = arith.addi %shift_left3A_362, %add3A_373 : vector<16xi32>
    %gather3A_375 = tpu.vector_load_idx %arg9[%add3A_354, %add3A_374] : memref<128x128xf32, #tpu.memory_space<vmem>>[vector<16xi32>, vector<16xi32>], vector<16xf32>,
    %add3A_376 = arith.constant 4 : i32
    %add3A_377 = vector.broadcast %add3A_376 : i32 to vector<16xi32>
    %add3A_378 = arith.addi %shift_left3A_362, %add3A_377 : vector<16xi32>
    %gather3A_379 = tpu.vector_load_idx %arg9[%add3A_354, %add3A_378] : memref<128x128xf32, #tpu.memory_space<vmem>>[vector<16xi32>, vector<16xi32>], vector<16xf32>,
    %add3A_380 = arith.constant 5 : i32
    %add3A_381 = vector.broadcast %add3A_380 : i32 to vector<16xi32>
    %add3A_382 = arith.addi %shift_left3A_362, %add3A_381 : vector<16xi32>
    %gather3A_383 = tpu.vector_load_idx %arg9[%add3A_354, %add3A_382] : memref<128x128xf32, #tpu.memory_space<vmem>>[vector<16xi32>, vector<16xi32>], vector<16xf32>,
    %get3A_384 = arith.constant 48 : index
    %get3A_385 = tpu.vector_load %arg10[%get3A_384] {strides = array<i32>} : memref<128xf32, #tpu.memory_space<vmem>>, vector<16xf32>,
    %sub3A_386 = arith.subf %get3A_385, %gather3A_363 : vector<16xf32>
    %exp3A_387 = math.exp %gather3A_375 : vector<16xf32>
    %add3A_388 = arith.constant 9.99999997E-7 : f32
    %add3A_389 = vector.broadcast %add3A_388 : f32 to vector<16xf32>
    %add3A_390 = arith.addf %exp3A_387, %add3A_389 : vector<16xf32>
    %div3A_391 = arith.divf %sub3A_386, %add3A_390 : vector<16xf32>
    %get3A_392 = arith.constant 48 : index
    %get3A_393 = tpu.vector_load %arg11[%get3A_392] {strides = array<i32>} : memref<128xf32, #tpu.memory_space<vmem>>, vector<16xf32>,
    %sub3A_394 = arith.subf %get3A_393, %gather3A_367 : vector<16xf32>
    %exp3A_395 = math.exp %gather3A_379 : vector<16xf32>
    %add3A_396 = arith.constant 9.99999997E-7 : f32
    %add3A_397 = vector.broadcast %add3A_396 : f32 to vector<16xf32>
    %add3A_398 = arith.addf %exp3A_395, %add3A_397 : vector<16xf32>
    %div3A_399 = arith.divf %sub3A_394, %add3A_398 : vector<16xf32>
    %get3A_400 = arith.constant 48 : index
    %get3A_401 = tpu.vector_load %arg12[%get3A_400] {strides = array<i32>} : memref<128xf32, #tpu.memory_space<vmem>>, vector<16xf32>,
    %sub3A_402 = arith.subf %get3A_401, %gather3A_371 : vector<16xf32>
    %exp3A_403 = math.exp %gather3A_383 : vector<16xf32>
    %add3A_404 = arith.constant 9.99999997E-7 : f32
    %add3A_405 = vector.broadcast %add3A_404 : f32 to vector<16xf32>
    %add3A_406 = arith.addf %exp3A_403, %add3A_405 : vector<16xf32>
    %div3A_407 = arith.divf %sub3A_402, %add3A_406 : vector<16xf32>
    %mul3A_408 = arith.mulf %div3A_391, %div3A_391 : vector<16xf32>
    %mul3A_409 = arith.mulf %div3A_399, %div3A_399 : vector<16xf32>
    %add3A_410 = arith.addf %mul3A_408, %mul3A_409 : vector<16xf32>
    %mul3A_411 = arith.mulf %div3A_407, %div3A_407 : vector<16xf32>
    %add3A_412 = arith.addf %add3A_410, %mul3A_411 : vector<16xf32>
    %bitcast3A_413 = vector.bitcast %add3A_412 : vector<16xf32> to vector<16xi32>
    %shift_right_arithmetic3A_414 = arith.constant 1 : i32
    %shift_right_arithmetic3A_415 = vector.broadcast %shift_right_arithmetic3A_414 : i32 to vector<16xi32>
    %shift_right_arithmetic3A_416 = arith.shrsi %bitcast3A_413, %shift_right_arithmetic3A_415 : vector<16xi32>
    %add3A_417 = arith.constant 532487669 : i32
    %add3A_418 = vector.broadcast %add3A_417 : i32 to vector<16xi32>
    %add3A_419 = arith.addi %shift_right_arithmetic3A_416, %add3A_418 : vector<16xi32>
    %bitcast3A_420 = vector.bitcast %add3A_419 : vector<16xi32> to vector<16xf32>
    %div3A_421 = arith.divf %add3A_412, %bitcast3A_420 : vector<16xf32>
    %add3A_422 = arith.addf %bitcast3A_420, %div3A_421 : vector<16xf32>
    %mul3A_423 = arith.constant 5.000000e-01 : f32
    %mul3A_424 = vector.broadcast %mul3A_423 : f32 to vector<16xf32>
    %mul3A_425 = arith.mulf %mul3A_424, %add3A_422 : vector<16xf32>
    %div3A_426 = arith.divf %add3A_412, %mul3A_425 : vector<16xf32>
    %add3A_427 = arith.addf %mul3A_425, %div3A_426 : vector<16xf32>
    %mul3A_428 = arith.constant 5.000000e-01 : f32
    %mul3A_429 = vector.broadcast %mul3A_428 : f32 to vector<16xf32>
    %mul3A_430 = arith.mulf %mul3A_429, %add3A_427 : vector<16xf32>
    %div3A_431 = arith.divf %add3A_412, %mul3A_430 : vector<16xf32>
    %add3A_432 = arith.addf %mul3A_430, %div3A_431 : vector<16xf32>
    %mul3A_433 = arith.constant 5.000000e-01 : f32
    %mul3A_434 = vector.broadcast %mul3A_433 : f32 to vector<16xf32>
    %mul3A_435 = arith.mulf %mul3A_434, %add3A_432 : vector<16xf32>
    %sub3A_436 = arith.constant 1.000000e+00 : f32
    %sub3A_437 = vector.broadcast %sub3A_436 : f32 to vector<16xf32>
    %sub3A_438 = arith.subf %mul3A_435, %sub3A_437 : vector<16xf32>
    %get3A_439 = arith.constant 48 : index
    %get3A_440 = tpu.vector_load %arg13[%get3A_439] {strides = array<i32>} : memref<128xf32, #tpu.memory_space<vmem>>, vector<16xf32>,
    %max3A_441 = arith.constant 0.000000e+00 : f32
    %max3A_442 = vector.broadcast %max3A_441 : f32 to vector<16xf32>
    %max3A_443 = arith.maximumf %get3A_440, %max3A_442 : vector<16xf32>
    %min3A_444 = arith.constant 1.000000e+00 : f32
    %min3A_445 = vector.broadcast %min3A_444 : f32 to vector<16xf32>
    %min3A_446 = arith.minimumf %max3A_443, %min3A_445 : vector<16xf32>
    %mul3A_447 = arith.mulf %sub3A_438, %sub3A_438 : vector<16xf32>
    %mul3A_448 = arith.mulf %mul3A_447, %min3A_446 : vector<16xf32>
    %add3A_449 = arith.addf %add3A_351, %mul3A_448 : vector<16xf32>
    %add3A_450 = arith.constant 64 : i32
    %add3A_451 = vector.broadcast %add3A_450 : i32 to vector<16xi32>
    %add3A_452 = arith.addi %iota3A, %add3A_451 : vector<16xi32>
    %get3A_453 = arith.constant 64 : index
    %get3A_454 = tpu.vector_load %arg7[%get3A_453] {strides = array<i32>} : memref<128xi32, #tpu.memory_space<vmem>>, vector<16xi32>,
    %and3A_455 = arith.constant 7 : i32
    %and3A_456 = vector.broadcast %and3A_455 : i32 to vector<16xi32>
    %and3A_457 = arith.andi %get3A_454, %and3A_456 : vector<16xi32>
    %shift_left3A_458 = arith.constant 4 : i32
    %shift_left3A_459 = vector.broadcast %shift_left3A_458 : i32 to vector<16xi32>
    %shift_left3A_460 = arith.shli %and3A_457, %shift_left3A_459 : vector<16xi32>
    %gather3A_461 = tpu.vector_load_idx %arg9[%add3A_452, %shift_left3A_460] : memref<128x128xf32, #tpu.memory_space<vmem>>[vector<16xi32>, vector<16xi32>], vector<16xf32>,
    %add3A_462 = arith.constant 1 : i32
    %add3A_463 = vector.broadcast %add3A_462 : i32 to vector<16xi32>
    %add3A_464 = arith.addi %shift_left3A_460, %add3A_463 : vector<16xi32>
    %gather3A_465 = tpu.vector_load_idx %arg9[%add3A_452, %add3A_464] : memref<128x128xf32, #tpu.memory_space<vmem>>[vector<16xi32>, vector<16xi32>], vector<16xf32>,
    %add3A_466 = arith.constant 2 : i32
    %add3A_467 = vector.broadcast %add3A_466 : i32 to vector<16xi32>
    %add3A_468 = arith.addi %shift_left3A_460, %add3A_467 : vector<16xi32>
    %gather3A_469 = tpu.vector_load_idx %arg9[%add3A_452, %add3A_468] : memref<128x128xf32, #tpu.memory_space<vmem>>[vector<16xi32>, vector<16xi32>], vector<16xf32>,
    %add3A_470 = arith.constant 3 : i32
    %add3A_471 = vector.broadcast %add3A_470 : i32 to vector<16xi32>
    %add3A_472 = arith.addi %shift_left3A_460, %add3A_471 : vector<16xi32>
    %gather3A_473 = tpu.vector_load_idx %arg9[%add3A_452, %add3A_472] : memref<128x128xf32, #tpu.memory_space<vmem>>[vector<16xi32>, vector<16xi32>], vector<16xf32>,
    %add3A_474 = arith.constant 4 : i32
    %add3A_475 = vector.broadcast %add3A_474 : i32 to vector<16xi32>
    %add3A_476 = arith.addi %shift_left3A_460, %add3A_475 : vector<16xi32>
    %gather3A_477 = tpu.vector_load_idx %arg9[%add3A_452, %add3A_476] : memref<128x128xf32, #tpu.memory_space<vmem>>[vector<16xi32>, vector<16xi32>], vector<16xf32>,
    %add3A_478 = arith.constant 5 : i32
    %add3A_479 = vector.broadcast %add3A_478 : i32 to vector<16xi32>
    %add3A_480 = arith.addi %shift_left3A_460, %add3A_479 : vector<16xi32>
    %gather3A_481 = tpu.vector_load_idx %arg9[%add3A_452, %add3A_480] : memref<128x128xf32, #tpu.memory_space<vmem>>[vector<16xi32>, vector<16xi32>], vector<16xf32>,
    %get3A_482 = arith.constant 64 : index
    %get3A_483 = tpu.vector_load %arg10[%get3A_482] {strides = array<i32>} : memref<128xf32, #tpu.memory_space<vmem>>, vector<16xf32>,
    %sub3A_484 = arith.subf %get3A_483, %gather3A_461 : vector<16xf32>
    %exp3A_485 = math.exp %gather3A_473 : vector<16xf32>
    %add3A_486 = arith.constant 9.99999997E-7 : f32
    %add3A_487 = vector.broadcast %add3A_486 : f32 to vector<16xf32>
    %add3A_488 = arith.addf %exp3A_485, %add3A_487 : vector<16xf32>
    %div3A_489 = arith.divf %sub3A_484, %add3A_488 : vector<16xf32>
    %get3A_490 = arith.constant 64 : index
    %get3A_491 = tpu.vector_load %arg11[%get3A_490] {strides = array<i32>} : memref<128xf32, #tpu.memory_space<vmem>>, vector<16xf32>,
    %sub3A_492 = arith.subf %get3A_491, %gather3A_465 : vector<16xf32>
    %exp3A_493 = math.exp %gather3A_477 : vector<16xf32>
    %add3A_494 = arith.constant 9.99999997E-7 : f32
    %add3A_495 = vector.broadcast %add3A_494 : f32 to vector<16xf32>
    %add3A_496 = arith.addf %exp3A_493, %add3A_495 : vector<16xf32>
    %div3A_497 = arith.divf %sub3A_492, %add3A_496 : vector<16xf32>
    %get3A_498 = arith.constant 64 : index
    %get3A_499 = tpu.vector_load %arg12[%get3A_498] {strides = array<i32>} : memref<128xf32, #tpu.memory_space<vmem>>, vector<16xf32>,
    %sub3A_500 = arith.subf %get3A_499, %gather3A_469 : vector<16xf32>
    %exp3A_501 = math.exp %gather3A_481 : vector<16xf32>
    %add3A_502 = arith.constant 9.99999997E-7 : f32
    %add3A_503 = vector.broadcast %add3A_502 : f32 to vector<16xf32>
    %add3A_504 = arith.addf %exp3A_501, %add3A_503 : vector<16xf32>
    %div3A_505 = arith.divf %sub3A_500, %add3A_504 : vector<16xf32>
    %mul3A_506 = arith.mulf %div3A_489, %div3A_489 : vector<16xf32>
    %mul3A_507 = arith.mulf %div3A_497, %div3A_497 : vector<16xf32>
    %add3A_508 = arith.addf %mul3A_506, %mul3A_507 : vector<16xf32>
    %mul3A_509 = arith.mulf %div3A_505, %div3A_505 : vector<16xf32>
    %add3A_510 = arith.addf %add3A_508, %mul3A_509 : vector<16xf32>
    %bitcast3A_511 = vector.bitcast %add3A_510 : vector<16xf32> to vector<16xi32>
    %shift_right_arithmetic3A_512 = arith.constant 1 : i32
    %shift_right_arithmetic3A_513 = vector.broadcast %shift_right_arithmetic3A_512 : i32 to vector<16xi32>
    %shift_right_arithmetic3A_514 = arith.shrsi %bitcast3A_511, %shift_right_arithmetic3A_513 : vector<16xi32>
    %add3A_515 = arith.constant 532487669 : i32
    %add3A_516 = vector.broadcast %add3A_515 : i32 to vector<16xi32>
    %add3A_517 = arith.addi %shift_right_arithmetic3A_514, %add3A_516 : vector<16xi32>
    %bitcast3A_518 = vector.bitcast %add3A_517 : vector<16xi32> to vector<16xf32>
    %div3A_519 = arith.divf %add3A_510, %bitcast3A_518 : vector<16xf32>
    %add3A_520 = arith.addf %bitcast3A_518, %div3A_519 : vector<16xf32>
    %mul3A_521 = arith.constant 5.000000e-01 : f32
    %mul3A_522 = vector.broadcast %mul3A_521 : f32 to vector<16xf32>
    %mul3A_523 = arith.mulf %mul3A_522, %add3A_520 : vector<16xf32>
    %div3A_524 = arith.divf %add3A_510, %mul3A_523 : vector<16xf32>
    %add3A_525 = arith.addf %mul3A_523, %div3A_524 : vector<16xf32>
    %mul3A_526 = arith.constant 5.000000e-01 : f32
    %mul3A_527 = vector.broadcast %mul3A_526 : f32 to vector<16xf32>
    %mul3A_528 = arith.mulf %mul3A_527, %add3A_525 : vector<16xf32>
    %div3A_529 = arith.divf %add3A_510, %mul3A_528 : vector<16xf32>
    %add3A_530 = arith.addf %mul3A_528, %div3A_529 : vector<16xf32>
    %mul3A_531 = arith.constant 5.000000e-01 : f32
    %mul3A_532 = vector.broadcast %mul3A_531 : f32 to vector<16xf32>
    %mul3A_533 = arith.mulf %mul3A_532, %add3A_530 : vector<16xf32>
    %sub3A_534 = arith.constant 1.000000e+00 : f32
    %sub3A_535 = vector.broadcast %sub3A_534 : f32 to vector<16xf32>
    %sub3A_536 = arith.subf %mul3A_533, %sub3A_535 : vector<16xf32>
    %get3A_537 = arith.constant 64 : index
    %get3A_538 = tpu.vector_load %arg13[%get3A_537] {strides = array<i32>} : memref<128xf32, #tpu.memory_space<vmem>>, vector<16xf32>,
    %max3A_539 = arith.constant 0.000000e+00 : f32
    %max3A_540 = vector.broadcast %max3A_539 : f32 to vector<16xf32>
    %max3A_541 = arith.maximumf %get3A_538, %max3A_540 : vector<16xf32>
    %min3A_542 = arith.constant 1.000000e+00 : f32
    %min3A_543 = vector.broadcast %min3A_542 : f32 to vector<16xf32>
    %min3A_544 = arith.minimumf %max3A_541, %min3A_543 : vector<16xf32>
    %mul3A_545 = arith.mulf %sub3A_536, %sub3A_536 : vector<16xf32>
    %mul3A_546 = arith.mulf %mul3A_545, %min3A_544 : vector<16xf32>
    %add3A_547 = arith.addf %add3A_449, %mul3A_546 : vector<16xf32>
    %add3A_548 = arith.constant 80 : i32
    %add3A_549 = vector.broadcast %add3A_548 : i32 to vector<16xi32>
    %add3A_550 = arith.addi %iota3A, %add3A_549 : vector<16xi32>
    %get3A_551 = arith.constant 80 : index
    %get3A_552 = tpu.vector_load %arg7[%get3A_551] {strides = array<i32>} : memref<128xi32, #tpu.memory_space<vmem>>, vector<16xi32>,
    %and3A_553 = arith.constant 7 : i32
    %and3A_554 = vector.broadcast %and3A_553 : i32 to vector<16xi32>
    %and3A_555 = arith.andi %get3A_552, %and3A_554 : vector<16xi32>
    %shift_left3A_556 = arith.constant 4 : i32
    %shift_left3A_557 = vector.broadcast %shift_left3A_556 : i32 to vector<16xi32>
    %shift_left3A_558 = arith.shli %and3A_555, %shift_left3A_557 : vector<16xi32>
    %gather3A_559 = tpu.vector_load_idx %arg9[%add3A_550, %shift_left3A_558] : memref<128x128xf32, #tpu.memory_space<vmem>>[vector<16xi32>, vector<16xi32>], vector<16xf32>,
    %add3A_560 = arith.constant 1 : i32
    %add3A_561 = vector.broadcast %add3A_560 : i32 to vector<16xi32>
    %add3A_562 = arith.addi %shift_left3A_558, %add3A_561 : vector<16xi32>
    %gather3A_563 = tpu.vector_load_idx %arg9[%add3A_550, %add3A_562] : memref<128x128xf32, #tpu.memory_space<vmem>>[vector<16xi32>, vector<16xi32>], vector<16xf32>,
    %add3A_564 = arith.constant 2 : i32
    %add3A_565 = vector.broadcast %add3A_564 : i32 to vector<16xi32>
    %add3A_566 = arith.addi %shift_left3A_558, %add3A_565 : vector<16xi32>
    %gather3A_567 = tpu.vector_load_idx %arg9[%add3A_550, %add3A_566] : memref<128x128xf32, #tpu.memory_space<vmem>>[vector<16xi32>, vector<16xi32>], vector<16xf32>,
    %add3A_568 = arith.constant 3 : i32
    %add3A_569 = vector.broadcast %add3A_568 : i32 to vector<16xi32>
    %add3A_570 = arith.addi %shift_left3A_558, %add3A_569 : vector<16xi32>
    %gather3A_571 = tpu.vector_load_idx %arg9[%add3A_550, %add3A_570] : memref<128x128xf32, #tpu.memory_space<vmem>>[vector<16xi32>, vector<16xi32>], vector<16xf32>,
    %add3A_572 = arith.constant 4 : i32
    %add3A_573 = vector.broadcast %add3A_572 : i32 to vector<16xi32>
    %add3A_574 = arith.addi %shift_left3A_558, %add3A_573 : vector<16xi32>
    %gather3A_575 = tpu.vector_load_idx %arg9[%add3A_550, %add3A_574] : memref<128x128xf32, #tpu.memory_space<vmem>>[vector<16xi32>, vector<16xi32>], vector<16xf32>,
    %add3A_576 = arith.constant 5 : i32
    %add3A_577 = vector.broadcast %add3A_576 : i32 to vector<16xi32>
    %add3A_578 = arith.addi %shift_left3A_558, %add3A_577 : vector<16xi32>
    %gather3A_579 = tpu.vector_load_idx %arg9[%add3A_550, %add3A_578] : memref<128x128xf32, #tpu.memory_space<vmem>>[vector<16xi32>, vector<16xi32>], vector<16xf32>,
    %get3A_580 = arith.constant 80 : index
    %get3A_581 = tpu.vector_load %arg10[%get3A_580] {strides = array<i32>} : memref<128xf32, #tpu.memory_space<vmem>>, vector<16xf32>,
    %sub3A_582 = arith.subf %get3A_581, %gather3A_559 : vector<16xf32>
    %exp3A_583 = math.exp %gather3A_571 : vector<16xf32>
    %add3A_584 = arith.constant 9.99999997E-7 : f32
    %add3A_585 = vector.broadcast %add3A_584 : f32 to vector<16xf32>
    %add3A_586 = arith.addf %exp3A_583, %add3A_585 : vector<16xf32>
    %div3A_587 = arith.divf %sub3A_582, %add3A_586 : vector<16xf32>
    %get3A_588 = arith.constant 80 : index
    %get3A_589 = tpu.vector_load %arg11[%get3A_588] {strides = array<i32>} : memref<128xf32, #tpu.memory_space<vmem>>, vector<16xf32>,
    %sub3A_590 = arith.subf %get3A_589, %gather3A_563 : vector<16xf32>
    %exp3A_591 = math.exp %gather3A_575 : vector<16xf32>
    %add3A_592 = arith.constant 9.99999997E-7 : f32
    %add3A_593 = vector.broadcast %add3A_592 : f32 to vector<16xf32>
    %add3A_594 = arith.addf %exp3A_591, %add3A_593 : vector<16xf32>
    %div3A_595 = arith.divf %sub3A_590, %add3A_594 : vector<16xf32>
    %get3A_596 = arith.constant 80 : index
    %get3A_597 = tpu.vector_load %arg12[%get3A_596] {strides = array<i32>} : memref<128xf32, #tpu.memory_space<vmem>>, vector<16xf32>,
    %sub3A_598 = arith.subf %get3A_597, %gather3A_567 : vector<16xf32>
    %exp3A_599 = math.exp %gather3A_579 : vector<16xf32>
    %add3A_600 = arith.constant 9.99999997E-7 : f32
    %add3A_601 = vector.broadcast %add3A_600 : f32 to vector<16xf32>
    %add3A_602 = arith.addf %exp3A_599, %add3A_601 : vector<16xf32>
    %div3A_603 = arith.divf %sub3A_598, %add3A_602 : vector<16xf32>
    %mul3A_604 = arith.mulf %div3A_587, %div3A_587 : vector<16xf32>
    %mul3A_605 = arith.mulf %div3A_595, %div3A_595 : vector<16xf32>
    %add3A_606 = arith.addf %mul3A_604, %mul3A_605 : vector<16xf32>
    %mul3A_607 = arith.mulf %div3A_603, %div3A_603 : vector<16xf32>
    %add3A_608 = arith.addf %add3A_606, %mul3A_607 : vector<16xf32>
    %bitcast3A_609 = vector.bitcast %add3A_608 : vector<16xf32> to vector<16xi32>
    %shift_right_arithmetic3A_610 = arith.constant 1 : i32
    %shift_right_arithmetic3A_611 = vector.broadcast %shift_right_arithmetic3A_610 : i32 to vector<16xi32>
    %shift_right_arithmetic3A_612 = arith.shrsi %bitcast3A_609, %shift_right_arithmetic3A_611 : vector<16xi32>
    %add3A_613 = arith.constant 532487669 : i32
    %add3A_614 = vector.broadcast %add3A_613 : i32 to vector<16xi32>
    %add3A_615 = arith.addi %shift_right_arithmetic3A_612, %add3A_614 : vector<16xi32>
    %bitcast3A_616 = vector.bitcast %add3A_615 : vector<16xi32> to vector<16xf32>
    %div3A_617 = arith.divf %add3A_608, %bitcast3A_616 : vector<16xf32>
    %add3A_618 = arith.addf %bitcast3A_616, %div3A_617 : vector<16xf32>
    %mul3A_619 = arith.constant 5.000000e-01 : f32
    %mul3A_620 = vector.broadcast %mul3A_619 : f32 to vector<16xf32>
    %mul3A_621 = arith.mulf %mul3A_620, %add3A_618 : vector<16xf32>
    %div3A_622 = arith.divf %add3A_608, %mul3A_621 : vector<16xf32>
    %add3A_623 = arith.addf %mul3A_621, %div3A_622 : vector<16xf32>
    %mul3A_624 = arith.constant 5.000000e-01 : f32
    %mul3A_625 = vector.broadcast %mul3A_624 : f32 to vector<16xf32>
    %mul3A_626 = arith.mulf %mul3A_625, %add3A_623 : vector<16xf32>
    %div3A_627 = arith.divf %add3A_608, %mul3A_626 : vector<16xf32>
    %add3A_628 = arith.addf %mul3A_626, %div3A_627 : vector<16xf32>
    %mul3A_629 = arith.constant 5.000000e-01 : f32
    %mul3A_630 = vector.broadcast %mul3A_629 : f32 to vector<16xf32>
    %mul3A_631 = arith.mulf %mul3A_630, %add3A_628 : vector<16xf32>
    %sub3A_632 = arith.constant 1.000000e+00 : f32
    %sub3A_633 = vector.broadcast %sub3A_632 : f32 to vector<16xf32>
    %sub3A_634 = arith.subf %mul3A_631, %sub3A_633 : vector<16xf32>
    %get3A_635 = arith.constant 80 : index
    %get3A_636 = tpu.vector_load %arg13[%get3A_635] {strides = array<i32>} : memref<128xf32, #tpu.memory_space<vmem>>, vector<16xf32>,
    %max3A_637 = arith.constant 0.000000e+00 : f32
    %max3A_638 = vector.broadcast %max3A_637 : f32 to vector<16xf32>
    %max3A_639 = arith.maximumf %get3A_636, %max3A_638 : vector<16xf32>
    %min3A_640 = arith.constant 1.000000e+00 : f32
    %min3A_641 = vector.broadcast %min3A_640 : f32 to vector<16xf32>
    %min3A_642 = arith.minimumf %max3A_639, %min3A_641 : vector<16xf32>
    %mul3A_643 = arith.mulf %sub3A_634, %sub3A_634 : vector<16xf32>
    %mul3A_644 = arith.mulf %mul3A_643, %min3A_642 : vector<16xf32>
    %add3A_645 = arith.addf %add3A_547, %mul3A_644 : vector<16xf32>
    %add3A_646 = arith.constant 96 : i32
    %add3A_647 = vector.broadcast %add3A_646 : i32 to vector<16xi32>
    %add3A_648 = arith.addi %iota3A, %add3A_647 : vector<16xi32>
    %get3A_649 = arith.constant 96 : index
    %get3A_650 = tpu.vector_load %arg7[%get3A_649] {strides = array<i32>} : memref<128xi32, #tpu.memory_space<vmem>>, vector<16xi32>,
    %and3A_651 = arith.constant 7 : i32
    %and3A_652 = vector.broadcast %and3A_651 : i32 to vector<16xi32>
    %and3A_653 = arith.andi %get3A_650, %and3A_652 : vector<16xi32>
    %shift_left3A_654 = arith.constant 4 : i32
    %shift_left3A_655 = vector.broadcast %shift_left3A_654 : i32 to vector<16xi32>
    %shift_left3A_656 = arith.shli %and3A_653, %shift_left3A_655 : vector<16xi32>
    %gather3A_657 = tpu.vector_load_idx %arg9[%add3A_648, %shift_left3A_656] : memref<128x128xf32, #tpu.memory_space<vmem>>[vector<16xi32>, vector<16xi32>], vector<16xf32>,
    %add3A_658 = arith.constant 1 : i32
    %add3A_659 = vector.broadcast %add3A_658 : i32 to vector<16xi32>
    %add3A_660 = arith.addi %shift_left3A_656, %add3A_659 : vector<16xi32>
    %gather3A_661 = tpu.vector_load_idx %arg9[%add3A_648, %add3A_660] : memref<128x128xf32, #tpu.memory_space<vmem>>[vector<16xi32>, vector<16xi32>], vector<16xf32>,
    %add3A_662 = arith.constant 2 : i32
    %add3A_663 = vector.broadcast %add3A_662 : i32 to vector<16xi32>
    %add3A_664 = arith.addi %shift_left3A_656, %add3A_663 : vector<16xi32>
    %gather3A_665 = tpu.vector_load_idx %arg9[%add3A_648, %add3A_664] : memref<128x128xf32, #tpu.memory_space<vmem>>[vector<16xi32>, vector<16xi32>], vector<16xf32>,
    %add3A_666 = arith.constant 3 : i32
    %add3A_667 = vector.broadcast %add3A_666 : i32 to vector<16xi32>
    %add3A_668 = arith.addi %shift_left3A_656, %add3A_667 : vector<16xi32>
    %gather3A_669 = tpu.vector_load_idx %arg9[%add3A_648, %add3A_668] : memref<128x128xf32, #tpu.memory_space<vmem>>[vector<16xi32>, vector<16xi32>], vector<16xf32>,
    %add3A_670 = arith.constant 4 : i32
    %add3A_671 = vector.broadcast %add3A_670 : i32 to vector<16xi32>
    %add3A_672 = arith.addi %shift_left3A_656, %add3A_671 : vector<16xi32>
    %gather3A_673 = tpu.vector_load_idx %arg9[%add3A_648, %add3A_672] : memref<128x128xf32, #tpu.memory_space<vmem>>[vector<16xi32>, vector<16xi32>], vector<16xf32>,
    %add3A_674 = arith.constant 5 : i32
    %add3A_675 = vector.broadcast %add3A_674 : i32 to vector<16xi32>
    %add3A_676 = arith.addi %shift_left3A_656, %add3A_675 : vector<16xi32>
    %gather3A_677 = tpu.vector_load_idx %arg9[%add3A_648, %add3A_676] : memref<128x128xf32, #tpu.memory_space<vmem>>[vector<16xi32>, vector<16xi32>], vector<16xf32>,
    %get3A_678 = arith.constant 96 : index
    %get3A_679 = tpu.vector_load %arg10[%get3A_678] {strides = array<i32>} : memref<128xf32, #tpu.memory_space<vmem>>, vector<16xf32>,
    %sub3A_680 = arith.subf %get3A_679, %gather3A_657 : vector<16xf32>
    %exp3A_681 = math.exp %gather3A_669 : vector<16xf32>
    %add3A_682 = arith.constant 9.99999997E-7 : f32
    %add3A_683 = vector.broadcast %add3A_682 : f32 to vector<16xf32>
    %add3A_684 = arith.addf %exp3A_681, %add3A_683 : vector<16xf32>
    %div3A_685 = arith.divf %sub3A_680, %add3A_684 : vector<16xf32>
    %get3A_686 = arith.constant 96 : index
    %get3A_687 = tpu.vector_load %arg11[%get3A_686] {strides = array<i32>} : memref<128xf32, #tpu.memory_space<vmem>>, vector<16xf32>,
    %sub3A_688 = arith.subf %get3A_687, %gather3A_661 : vector<16xf32>
    %exp3A_689 = math.exp %gather3A_673 : vector<16xf32>
    %add3A_690 = arith.constant 9.99999997E-7 : f32
    %add3A_691 = vector.broadcast %add3A_690 : f32 to vector<16xf32>
    %add3A_692 = arith.addf %exp3A_689, %add3A_691 : vector<16xf32>
    %div3A_693 = arith.divf %sub3A_688, %add3A_692 : vector<16xf32>
    %get3A_694 = arith.constant 96 : index
    %get3A_695 = tpu.vector_load %arg12[%get3A_694] {strides = array<i32>} : memref<128xf32, #tpu.memory_space<vmem>>, vector<16xf32>,
    %sub3A_696 = arith.subf %get3A_695, %gather3A_665 : vector<16xf32>
    %exp3A_697 = math.exp %gather3A_677 : vector<16xf32>
    %add3A_698 = arith.constant 9.99999997E-7 : f32
    %add3A_699 = vector.broadcast %add3A_698 : f32 to vector<16xf32>
    %add3A_700 = arith.addf %exp3A_697, %add3A_699 : vector<16xf32>
    %div3A_701 = arith.divf %sub3A_696, %add3A_700 : vector<16xf32>
    %mul3A_702 = arith.mulf %div3A_685, %div3A_685 : vector<16xf32>
    %mul3A_703 = arith.mulf %div3A_693, %div3A_693 : vector<16xf32>
    %add3A_704 = arith.addf %mul3A_702, %mul3A_703 : vector<16xf32>
    %mul3A_705 = arith.mulf %div3A_701, %div3A_701 : vector<16xf32>
    %add3A_706 = arith.addf %add3A_704, %mul3A_705 : vector<16xf32>
    %bitcast3A_707 = vector.bitcast %add3A_706 : vector<16xf32> to vector<16xi32>
    %shift_right_arithmetic3A_708 = arith.constant 1 : i32
    %shift_right_arithmetic3A_709 = vector.broadcast %shift_right_arithmetic3A_708 : i32 to vector<16xi32>
    %shift_right_arithmetic3A_710 = arith.shrsi %bitcast3A_707, %shift_right_arithmetic3A_709 : vector<16xi32>
    %add3A_711 = arith.constant 532487669 : i32
    %add3A_712 = vector.broadcast %add3A_711 : i32 to vector<16xi32>
    %add3A_713 = arith.addi %shift_right_arithmetic3A_710, %add3A_712 : vector<16xi32>
    %bitcast3A_714 = vector.bitcast %add3A_713 : vector<16xi32> to vector<16xf32>
    %div3A_715 = arith.divf %add3A_706, %bitcast3A_714 : vector<16xf32>
    %add3A_716 = arith.addf %bitcast3A_714, %div3A_715 : vector<16xf32>
    %mul3A_717 = arith.constant 5.000000e-01 : f32
    %mul3A_718 = vector.broadcast %mul3A_717 : f32 to vector<16xf32>
    %mul3A_719 = arith.mulf %mul3A_718, %add3A_716 : vector<16xf32>
    %div3A_720 = arith.divf %add3A_706, %mul3A_719 : vector<16xf32>
    %add3A_721 = arith.addf %mul3A_719, %div3A_720 : vector<16xf32>
    %mul3A_722 = arith.constant 5.000000e-01 : f32
    %mul3A_723 = vector.broadcast %mul3A_722 : f32 to vector<16xf32>
    %mul3A_724 = arith.mulf %mul3A_723, %add3A_721 : vector<16xf32>
    %div3A_725 = arith.divf %add3A_706, %mul3A_724 : vector<16xf32>
    %add3A_726 = arith.addf %mul3A_724, %div3A_725 : vector<16xf32>
    %mul3A_727 = arith.constant 5.000000e-01 : f32
    %mul3A_728 = vector.broadcast %mul3A_727 : f32 to vector<16xf32>
    %mul3A_729 = arith.mulf %mul3A_728, %add3A_726 : vector<16xf32>
    %sub3A_730 = arith.constant 1.000000e+00 : f32
    %sub3A_731 = vector.broadcast %sub3A_730 : f32 to vector<16xf32>
    %sub3A_732 = arith.subf %mul3A_729, %sub3A_731 : vector<16xf32>
    %get3A_733 = arith.constant 96 : index
    %get3A_734 = tpu.vector_load %arg13[%get3A_733] {strides = array<i32>} : memref<128xf32, #tpu.memory_space<vmem>>, vector<16xf32>,
    %max3A_735 = arith.constant 0.000000e+00 : f32
    %max3A_736 = vector.broadcast %max3A_735 : f32 to vector<16xf32>
    %max3A_737 = arith.maximumf %get3A_734, %max3A_736 : vector<16xf32>
    %min3A_738 = arith.constant 1.000000e+00 : f32
    %min3A_739 = vector.broadcast %min3A_738 : f32 to vector<16xf32>
    %min3A_740 = arith.minimumf %max3A_737, %min3A_739 : vector<16xf32>
    %mul3A_741 = arith.mulf %sub3A_732, %sub3A_732 : vector<16xf32>
    %mul3A_742 = arith.mulf %mul3A_741, %min3A_740 : vector<16xf32>
    %add3A_743 = arith.addf %add3A_645, %mul3A_742 : vector<16xf32>
    %add3A_744 = arith.constant 112 : i32
    %add3A_745 = vector.broadcast %add3A_744 : i32 to vector<16xi32>
    %add3A_746 = arith.addi %iota3A, %add3A_745 : vector<16xi32>
    %get3A_747 = arith.constant 112 : index
    %get3A_748 = tpu.vector_load %arg7[%get3A_747] {strides = array<i32>} : memref<128xi32, #tpu.memory_space<vmem>>, vector<16xi32>,
    %and3A_749 = arith.constant 7 : i32
    %and3A_750 = vector.broadcast %and3A_749 : i32 to vector<16xi32>
    %and3A_751 = arith.andi %get3A_748, %and3A_750 : vector<16xi32>
    %shift_left3A_752 = arith.constant 4 : i32
    %shift_left3A_753 = vector.broadcast %shift_left3A_752 : i32 to vector<16xi32>
    %shift_left3A_754 = arith.shli %and3A_751, %shift_left3A_753 : vector<16xi32>
    %gather3A_755 = tpu.vector_load_idx %arg9[%add3A_746, %shift_left3A_754] : memref<128x128xf32, #tpu.memory_space<vmem>>[vector<16xi32>, vector<16xi32>], vector<16xf32>,
    %add3A_756 = arith.constant 1 : i32
    %add3A_757 = vector.broadcast %add3A_756 : i32 to vector<16xi32>
    %add3A_758 = arith.addi %shift_left3A_754, %add3A_757 : vector<16xi32>
    %gather3A_759 = tpu.vector_load_idx %arg9[%add3A_746, %add3A_758] : memref<128x128xf32, #tpu.memory_space<vmem>>[vector<16xi32>, vector<16xi32>], vector<16xf32>,
    %add3A_760 = arith.constant 2 : i32
    %add3A_761 = vector.broadcast %add3A_760 : i32 to vector<16xi32>
    %add3A_762 = arith.addi %shift_left3A_754, %add3A_761 : vector<16xi32>
    %gather3A_763 = tpu.vector_load_idx %arg9[%add3A_746, %add3A_762] : memref<128x128xf32, #tpu.memory_space<vmem>>[vector<16xi32>, vector<16xi32>], vector<16xf32>,
    %add3A_764 = arith.constant 3 : i32
    %add3A_765 = vector.broadcast %add3A_764 : i32 to vector<16xi32>
    %add3A_766 = arith.addi %shift_left3A_754, %add3A_765 : vector<16xi32>
    %gather3A_767 = tpu.vector_load_idx %arg9[%add3A_746, %add3A_766] : memref<128x128xf32, #tpu.memory_space<vmem>>[vector<16xi32>, vector<16xi32>], vector<16xf32>,
    %add3A_768 = arith.constant 4 : i32
    %add3A_769 = vector.broadcast %add3A_768 : i32 to vector<16xi32>
    %add3A_770 = arith.addi %shift_left3A_754, %add3A_769 : vector<16xi32>
    %gather3A_771 = tpu.vector_load_idx %arg9[%add3A_746, %add3A_770] : memref<128x128xf32, #tpu.memory_space<vmem>>[vector<16xi32>, vector<16xi32>], vector<16xf32>,
    %add3A_772 = arith.constant 5 : i32
    %add3A_773 = vector.broadcast %add3A_772 : i32 to vector<16xi32>
    %add3A_774 = arith.addi %shift_left3A_754, %add3A_773 : vector<16xi32>
    %gather3A_775 = tpu.vector_load_idx %arg9[%add3A_746, %add3A_774] : memref<128x128xf32, #tpu.memory_space<vmem>>[vector<16xi32>, vector<16xi32>], vector<16xf32>,
    %get3A_776 = arith.constant 112 : index
    %get3A_777 = tpu.vector_load %arg10[%get3A_776] {strides = array<i32>} : memref<128xf32, #tpu.memory_space<vmem>>, vector<16xf32>,
    %sub3A_778 = arith.subf %get3A_777, %gather3A_755 : vector<16xf32>
    %exp3A_779 = math.exp %gather3A_767 : vector<16xf32>
    %add3A_780 = arith.constant 9.99999997E-7 : f32
    %add3A_781 = vector.broadcast %add3A_780 : f32 to vector<16xf32>
    %add3A_782 = arith.addf %exp3A_779, %add3A_781 : vector<16xf32>
    %div3A_783 = arith.divf %sub3A_778, %add3A_782 : vector<16xf32>
    %get3A_784 = arith.constant 112 : index
    %get3A_785 = tpu.vector_load %arg11[%get3A_784] {strides = array<i32>} : memref<128xf32, #tpu.memory_space<vmem>>, vector<16xf32>,
    %sub3A_786 = arith.subf %get3A_785, %gather3A_759 : vector<16xf32>
    %exp3A_787 = math.exp %gather3A_771 : vector<16xf32>
    %add3A_788 = arith.constant 9.99999997E-7 : f32
    %add3A_789 = vector.broadcast %add3A_788 : f32 to vector<16xf32>
    %add3A_790 = arith.addf %exp3A_787, %add3A_789 : vector<16xf32>
    %div3A_791 = arith.divf %sub3A_786, %add3A_790 : vector<16xf32>
    %get3A_792 = arith.constant 112 : index
    %get3A_793 = tpu.vector_load %arg12[%get3A_792] {strides = array<i32>} : memref<128xf32, #tpu.memory_space<vmem>>, vector<16xf32>,
    %sub3A_794 = arith.subf %get3A_793, %gather3A_763 : vector<16xf32>
    %exp3A_795 = math.exp %gather3A_775 : vector<16xf32>
    %add3A_796 = arith.constant 9.99999997E-7 : f32
    %add3A_797 = vector.broadcast %add3A_796 : f32 to vector<16xf32>
    %add3A_798 = arith.addf %exp3A_795, %add3A_797 : vector<16xf32>
    %div3A_799 = arith.divf %sub3A_794, %add3A_798 : vector<16xf32>
    %mul3A_800 = arith.mulf %div3A_783, %div3A_783 : vector<16xf32>
    %mul3A_801 = arith.mulf %div3A_791, %div3A_791 : vector<16xf32>
    %add3A_802 = arith.addf %mul3A_800, %mul3A_801 : vector<16xf32>
    %mul3A_803 = arith.mulf %div3A_799, %div3A_799 : vector<16xf32>
    %add3A_804 = arith.addf %add3A_802, %mul3A_803 : vector<16xf32>
    %bitcast3A_805 = vector.bitcast %add3A_804 : vector<16xf32> to vector<16xi32>
    %shift_right_arithmetic3A_806 = arith.constant 1 : i32
    %shift_right_arithmetic3A_807 = vector.broadcast %shift_right_arithmetic3A_806 : i32 to vector<16xi32>
    %shift_right_arithmetic3A_808 = arith.shrsi %bitcast3A_805, %shift_right_arithmetic3A_807 : vector<16xi32>
    %add3A_809 = arith.constant 532487669 : i32
    %add3A_810 = vector.broadcast %add3A_809 : i32 to vector<16xi32>
    %add3A_811 = arith.addi %shift_right_arithmetic3A_808, %add3A_810 : vector<16xi32>
    %bitcast3A_812 = vector.bitcast %add3A_811 : vector<16xi32> to vector<16xf32>
    %div3A_813 = arith.divf %add3A_804, %bitcast3A_812 : vector<16xf32>
    %add3A_814 = arith.addf %bitcast3A_812, %div3A_813 : vector<16xf32>
    %mul3A_815 = arith.constant 5.000000e-01 : f32
    %mul3A_816 = vector.broadcast %mul3A_815 : f32 to vector<16xf32>
    %mul3A_817 = arith.mulf %mul3A_816, %add3A_814 : vector<16xf32>
    %div3A_818 = arith.divf %add3A_804, %mul3A_817 : vector<16xf32>
    %add3A_819 = arith.addf %mul3A_817, %div3A_818 : vector<16xf32>
    %mul3A_820 = arith.constant 5.000000e-01 : f32
    %mul3A_821 = vector.broadcast %mul3A_820 : f32 to vector<16xf32>
    %mul3A_822 = arith.mulf %mul3A_821, %add3A_819 : vector<16xf32>
    %div3A_823 = arith.divf %add3A_804, %mul3A_822 : vector<16xf32>
    %add3A_824 = arith.addf %mul3A_822, %div3A_823 : vector<16xf32>
    %mul3A_825 = arith.constant 5.000000e-01 : f32
    %mul3A_826 = vector.broadcast %mul3A_825 : f32 to vector<16xf32>
    %mul3A_827 = arith.mulf %mul3A_826, %add3A_824 : vector<16xf32>
    %sub3A_828 = arith.constant 1.000000e+00 : f32
    %sub3A_829 = vector.broadcast %sub3A_828 : f32 to vector<16xf32>
    %sub3A_830 = arith.subf %mul3A_827, %sub3A_829 : vector<16xf32>
    %get3A_831 = arith.constant 112 : index
    %get3A_832 = tpu.vector_load %arg13[%get3A_831] {strides = array<i32>} : memref<128xf32, #tpu.memory_space<vmem>>, vector<16xf32>,
    %max3A_833 = arith.constant 0.000000e+00 : f32
    %max3A_834 = vector.broadcast %max3A_833 : f32 to vector<16xf32>
    %max3A_835 = arith.maximumf %get3A_832, %max3A_834 : vector<16xf32>
    %min3A_836 = arith.constant 1.000000e+00 : f32
    %min3A_837 = vector.broadcast %min3A_836 : f32 to vector<16xf32>
    %min3A_838 = arith.minimumf %max3A_835, %min3A_837 : vector<16xf32>
    %mul3A_839 = arith.mulf %sub3A_830, %sub3A_830 : vector<16xf32>
    %mul3A_840 = arith.mulf %mul3A_839, %min3A_838 : vector<16xf32>
    %add3A_841 = arith.addf %add3A_743, %mul3A_840 : vector<16xf32>
    %swap3A_842 = arith.constant 0 : index
    %swap3A_843 = tpu.vector_load %arg14[%swap3A_842] {strides = array<i32>} : memref<16xf32, #tpu.memory_space<vmem>>, vector<16xf32>,
    tpu.vector_store %arg14[%swap3A_842], %add3A_841 {strides = array<i32>} : memref<16xf32, #tpu.memory_space<vmem>>, vector<16xf32>,
    %add3A_844 = arith.constant 16 : i32
    %add3A_845 = arith.addi %arg1, %add3A_844 : i32
    "tpu.region"() ({
      %run_scoped3A = tpu.sem_alloc : memref<!tpu.dma_semaphore, #tpu.memory_space<semaphore_mem>>
      %dma_start3A_848 = arith.constant 0 : i32
      %dma_start3A_849 = tpu.memref_slice %arg16[%add3A_845, %dma_start3A_848] : memref<32x16xf32, #tpu.memory_space<vmem_shared>> -> memref<1x16xf32, #tpu.memory_space<vmem_shared>>
      %dma_start3A_850 = tpu.memref_squeeze %dma_start3A_849 : memref<1x16xf32, #tpu.memory_space<vmem_shared>> -> memref<16xf32, #tpu.memory_space<vmem_shared>>
      %dma_start3A_851 = arith.constant 0 : i32
      %dma_start3A_852 = tpu.memref_slice %arg16[%add3A_845, %dma_start3A_851] : memref<32x16xf32, #tpu.memory_space<vmem_shared>> -> memref<1x16xf32, #tpu.memory_space<vmem_shared>>
      %dma_start3A_853 = tpu.memref_squeeze %dma_start3A_852 : memref<1x16xf32, #tpu.memory_space<vmem_shared>> -> memref<16xf32, #tpu.memory_space<vmem_shared>>
      tpu.enqueue_dma source(%arg14 : memref<16xf32, #tpu.memory_space<vmem>>) target(%dma_start3A_853 : memref<16xf32, #tpu.memory_space<vmem_shared>>) target_semaphore(%run_scoped3A : memref<!tpu.dma_semaphore, #tpu.memory_space<semaphore_mem>>)
      %dma_wait3A_854 = arith.constant 0 : i32
      %dma_wait3A_855 = tpu.memref_slice %arg16[%add3A_845, %dma_wait3A_854] : memref<32x16xf32, #tpu.memory_space<vmem_shared>> -> memref<1x16xf32, #tpu.memory_space<vmem_shared>>
      %dma_wait3A_856 = tpu.memref_squeeze %dma_wait3A_855 : memref<1x16xf32, #tpu.memory_space<vmem_shared>> -> memref<16xf32, #tpu.memory_space<vmem_shared>>
      %dma_wait3A_857 = arith.constant 0 : i32
      %dma_wait3A_858 = tpu.memref_slice %arg16[%add3A_845, %dma_wait3A_857] : memref<32x16xf32, #tpu.memory_space<vmem_shared>> -> memref<1x16xf32, #tpu.memory_space<vmem_shared>>
      %dma_wait3A_859 = tpu.memref_squeeze %dma_wait3A_858 : memref<1x16xf32, #tpu.memory_space<vmem_shared>> -> memref<16xf32, #tpu.memory_space<vmem_shared>>
      tpu.wait_dma2 semaphore(%run_scoped3A : memref<!tpu.dma_semaphore, #tpu.memory_space<semaphore_mem>>) src(%arg14 : memref<16xf32, #tpu.memory_space<vmem>>) dst(%dma_wait3A_859 : memref<16xf32, #tpu.memory_space<vmem_shared>>)
      tpu.yield
    }) : () -> ()
    %barrier3A = arith.constant 0 : index
    tpu.barrier barrier_id(%barrier3A)
    %eq3A = arith.constant 0 : i32
    %eq3A_846 = arith.cmpi eq, %arg1, %eq3A : i32
    %convert_element_type3A = arith.extui %eq3A_846 : i1 to i32
    %cond3A = arith.constant 0 : i32
    %cond3A_847 = arith.cmpi ne, %convert_element_type3A, %cond3A : i32
    scf.if %cond3A_847 {
      "tpu.region"() ({
        %run_scoped3A = tpu.sem_alloc : memref<!tpu.dma_semaphore, #tpu.memory_space<semaphore_mem>>
        %dma_start3A_931 = arith.constant 16 : i32
        %dma_start3A_932 = arith.constant 0 : i32
        %dma_start3A_933 = tpu.memref_slice %arg16[%dma_start3A_931, %dma_start3A_932] : memref<32x16xf32, #tpu.memory_space<vmem_shared>> -> memref<16x16xf32, #tpu.memory_space<vmem_shared>>
        %dma_start3A_934 = arith.constant 16 : i32
        %dma_start3A_935 = arith.constant 0 : i32
        %dma_start3A_936 = tpu.memref_slice %arg16[%dma_start3A_934, %dma_start3A_935] : memref<32x16xf32, #tpu.memory_space<vmem_shared>> -> memref<16x16xf32, #tpu.memory_space<vmem_shared>>
        tpu.enqueue_dma source(%dma_start3A_936 : memref<16x16xf32, #tpu.memory_space<vmem_shared>>) target(%arg15 : memref<16x16xf32, #tpu.memory_space<vmem>>) target_semaphore(%run_scoped3A : memref<!tpu.dma_semaphore, #tpu.memory_space<semaphore_mem>>)
        %dma_wait3A_937 = arith.constant 16 : i32
        %dma_wait3A_938 = arith.constant 0 : i32
        %dma_wait3A_939 = tpu.memref_slice %arg16[%dma_wait3A_937, %dma_wait3A_938] : memref<32x16xf32, #tpu.memory_space<vmem_shared>> -> memref<16x16xf32, #tpu.memory_space<vmem_shared>>
        %dma_wait3A_940 = arith.constant 16 : i32
        %dma_wait3A_941 = arith.constant 0 : i32
        %dma_wait3A_942 = tpu.memref_slice %arg16[%dma_wait3A_940, %dma_wait3A_941] : memref<32x16xf32, #tpu.memory_space<vmem_shared>> -> memref<16x16xf32, #tpu.memory_space<vmem_shared>>
        tpu.wait_dma2 semaphore(%run_scoped3A : memref<!tpu.dma_semaphore, #tpu.memory_space<semaphore_mem>>) src(%dma_wait3A_942 : memref<16x16xf32, #tpu.memory_space<vmem_shared>>) dst(%arg15 : memref<16x16xf32, #tpu.memory_space<vmem>>)
        tpu.yield
      }) : () -> ()
      %get3A_848 = arith.constant 0 : i32
      %get3A_849 = arith.index_cast %get3A_848 : i32 to index
      %get3A_850 = arith.constant 0 : index
      %get3A_851 = tpu.vector_load %arg15[%get3A_849, %get3A_850] {strides = array<i32>} : memref<16x16xf32, #tpu.memory_space<vmem>>, vector<16xf32>,
      %get3A_852 = arith.constant 1 : i32
      %get3A_853 = arith.index_cast %get3A_852 : i32 to index
      %get3A_854 = arith.constant 0 : index
      %get3A_855 = tpu.vector_load %arg15[%get3A_853, %get3A_854] {strides = array<i32>} : memref<16x16xf32, #tpu.memory_space<vmem>>, vector<16xf32>,
      %add3A_856 = arith.addf %get3A_851, %get3A_855 : vector<16xf32>
      %get3A_857 = arith.constant 2 : i32
      %get3A_858 = arith.index_cast %get3A_857 : i32 to index
      %get3A_859 = arith.constant 0 : index
      %get3A_860 = tpu.vector_load %arg15[%get3A_858, %get3A_859] {strides = array<i32>} : memref<16x16xf32, #tpu.memory_space<vmem>>, vector<16xf32>,
      %add3A_861 = arith.addf %add3A_856, %get3A_860 : vector<16xf32>
      %get3A_862 = arith.constant 3 : i32
      %get3A_863 = arith.index_cast %get3A_862 : i32 to index
      %get3A_864 = arith.constant 0 : index
      %get3A_865 = tpu.vector_load %arg15[%get3A_863, %get3A_864] {strides = array<i32>} : memref<16x16xf32, #tpu.memory_space<vmem>>, vector<16xf32>,
      %add3A_866 = arith.addf %add3A_861, %get3A_865 : vector<16xf32>
      %get3A_867 = arith.constant 4 : i32
      %get3A_868 = arith.index_cast %get3A_867 : i32 to index
      %get3A_869 = arith.constant 0 : index
      %get3A_870 = tpu.vector_load %arg15[%get3A_868, %get3A_869] {strides = array<i32>} : memref<16x16xf32, #tpu.memory_space<vmem>>, vector<16xf32>,
      %add3A_871 = arith.addf %add3A_866, %get3A_870 : vector<16xf32>
      %get3A_872 = arith.constant 5 : i32
      %get3A_873 = arith.index_cast %get3A_872 : i32 to index
      %get3A_874 = arith.constant 0 : index
      %get3A_875 = tpu.vector_load %arg15[%get3A_873, %get3A_874] {strides = array<i32>} : memref<16x16xf32, #tpu.memory_space<vmem>>, vector<16xf32>,
      %add3A_876 = arith.addf %add3A_871, %get3A_875 : vector<16xf32>
      %get3A_877 = arith.constant 6 : i32
      %get3A_878 = arith.index_cast %get3A_877 : i32 to index
      %get3A_879 = arith.constant 0 : index
      %get3A_880 = tpu.vector_load %arg15[%get3A_878, %get3A_879] {strides = array<i32>} : memref<16x16xf32, #tpu.memory_space<vmem>>, vector<16xf32>,
      %add3A_881 = arith.addf %add3A_876, %get3A_880 : vector<16xf32>
      %get3A_882 = arith.constant 7 : i32
      %get3A_883 = arith.index_cast %get3A_882 : i32 to index
      %get3A_884 = arith.constant 0 : index
      %get3A_885 = tpu.vector_load %arg15[%get3A_883, %get3A_884] {strides = array<i32>} : memref<16x16xf32, #tpu.memory_space<vmem>>, vector<16xf32>,
      %add3A_886 = arith.addf %add3A_881, %get3A_885 : vector<16xf32>
      %get3A_887 = arith.constant 8 : i32
      %get3A_888 = arith.index_cast %get3A_887 : i32 to index
      %get3A_889 = arith.constant 0 : index
      %get3A_890 = tpu.vector_load %arg15[%get3A_888, %get3A_889] {strides = array<i32>} : memref<16x16xf32, #tpu.memory_space<vmem>>, vector<16xf32>,
      %add3A_891 = arith.addf %add3A_886, %get3A_890 : vector<16xf32>
      %get3A_892 = arith.constant 9 : i32
      %get3A_893 = arith.index_cast %get3A_892 : i32 to index
      %get3A_894 = arith.constant 0 : index
      %get3A_895 = tpu.vector_load %arg15[%get3A_893, %get3A_894] {strides = array<i32>} : memref<16x16xf32, #tpu.memory_space<vmem>>, vector<16xf32>,
      %add3A_896 = arith.addf %add3A_891, %get3A_895 : vector<16xf32>
      %get3A_897 = arith.constant 10 : i32
      %get3A_898 = arith.index_cast %get3A_897 : i32 to index
      %get3A_899 = arith.constant 0 : index
      %get3A_900 = tpu.vector_load %arg15[%get3A_898, %get3A_899] {strides = array<i32>} : memref<16x16xf32, #tpu.memory_space<vmem>>, vector<16xf32>,
      %add3A_901 = arith.addf %add3A_896, %get3A_900 : vector<16xf32>
      %get3A_902 = arith.constant 11 : i32
      %get3A_903 = arith.index_cast %get3A_902 : i32 to index
      %get3A_904 = arith.constant 0 : index
      %get3A_905 = tpu.vector_load %arg15[%get3A_903, %get3A_904] {strides = array<i32>} : memref<16x16xf32, #tpu.memory_space<vmem>>, vector<16xf32>,
      %add3A_906 = arith.addf %add3A_901, %get3A_905 : vector<16xf32>
      %get3A_907 = arith.constant 12 : i32
      %get3A_908 = arith.index_cast %get3A_907 : i32 to index
      %get3A_909 = arith.constant 0 : index
      %get3A_910 = tpu.vector_load %arg15[%get3A_908, %get3A_909] {strides = array<i32>} : memref<16x16xf32, #tpu.memory_space<vmem>>, vector<16xf32>,
      %add3A_911 = arith.addf %add3A_906, %get3A_910 : vector<16xf32>
      %get3A_912 = arith.constant 13 : i32
      %get3A_913 = arith.index_cast %get3A_912 : i32 to index
      %get3A_914 = arith.constant 0 : index
      %get3A_915 = tpu.vector_load %arg15[%get3A_913, %get3A_914] {strides = array<i32>} : memref<16x16xf32, #tpu.memory_space<vmem>>, vector<16xf32>,
      %add3A_916 = arith.addf %add3A_911, %get3A_915 : vector<16xf32>
      %get3A_917 = arith.constant 14 : i32
      %get3A_918 = arith.index_cast %get3A_917 : i32 to index
      %get3A_919 = arith.constant 0 : index
      %get3A_920 = tpu.vector_load %arg15[%get3A_918, %get3A_919] {strides = array<i32>} : memref<16x16xf32, #tpu.memory_space<vmem>>, vector<16xf32>,
      %add3A_921 = arith.addf %add3A_916, %get3A_920 : vector<16xf32>
      %get3A_922 = arith.constant 15 : i32
      %get3A_923 = arith.index_cast %get3A_922 : i32 to index
      %get3A_924 = arith.constant 0 : index
      %get3A_925 = tpu.vector_load %arg15[%get3A_923, %get3A_924] {strides = array<i32>} : memref<16x16xf32, #tpu.memory_space<vmem>>, vector<16xf32>,
      %add3A_926 = arith.addf %add3A_921, %get3A_925 : vector<16xf32>
      %broadcast_in_dim3A_927 = arith.constant true
      %broadcast_in_dim3A_928 = vector.broadcast %broadcast_in_dim3A_927 : i1 to vector<16xi1>
      %masked_cumsum3A = tpu.scan <sum>, %add3A_926 masked %broadcast_in_dim3A_928 : vector<16xf32>, vector<16xi1> -> vector<16xf32>
      %swap3A_929 = arith.constant 0 : index
      %swap3A_930 = tpu.vector_load %arg14[%swap3A_929] {strides = array<i32>} : memref<16xf32, #tpu.memory_space<vmem>>, vector<16xf32>,
      tpu.vector_store %arg14[%swap3A_929], %masked_cumsum3A {strides = array<i32>} : memref<16xf32, #tpu.memory_space<vmem>>, vector<16xf32>,
      "tpu.region"() ({
        %run_scoped3A = tpu.sem_alloc : memref<!tpu.dma_semaphore, #tpu.memory_space<semaphore_mem>>
        %dma_start3A_931 = arith.constant 0 : i32
        %dma_start3A_932 = tpu.memref_slice %arg6[%arg0, %dma_start3A_931] : memref<2x16xf32, #tpu.memory_space<hbm>> -> memref<1x16xf32, #tpu.memory_space<hbm>>
        %dma_start3A_933 = tpu.memref_squeeze %dma_start3A_932 : memref<1x16xf32, #tpu.memory_space<hbm>> -> memref<16xf32, #tpu.memory_space<hbm>>
        %dma_start3A_934 = arith.constant 0 : i32
        %dma_start3A_935 = tpu.memref_slice %arg6[%arg0, %dma_start3A_934] : memref<2x16xf32, #tpu.memory_space<hbm>> -> memref<1x16xf32, #tpu.memory_space<hbm>>
        %dma_start3A_936 = tpu.memref_squeeze %dma_start3A_935 : memref<1x16xf32, #tpu.memory_space<hbm>> -> memref<16xf32, #tpu.memory_space<hbm>>
        tpu.enqueue_dma source(%arg14 : memref<16xf32, #tpu.memory_space<vmem>>) target(%dma_start3A_936 : memref<16xf32, #tpu.memory_space<hbm>>) target_semaphore(%run_scoped3A : memref<!tpu.dma_semaphore, #tpu.memory_space<semaphore_mem>>)
        %dma_wait3A_937 = arith.constant 0 : i32
        %dma_wait3A_938 = tpu.memref_slice %arg6[%arg0, %dma_wait3A_937] : memref<2x16xf32, #tpu.memory_space<hbm>> -> memref<1x16xf32, #tpu.memory_space<hbm>>
        %dma_wait3A_939 = tpu.memref_squeeze %dma_wait3A_938 : memref<1x16xf32, #tpu.memory_space<hbm>> -> memref<16xf32, #tpu.memory_space<hbm>>
        %dma_wait3A_940 = arith.constant 0 : i32
        %dma_wait3A_941 = tpu.memref_slice %arg6[%arg0, %dma_wait3A_940] : memref<2x16xf32, #tpu.memory_space<hbm>> -> memref<1x16xf32, #tpu.memory_space<hbm>>
        %dma_wait3A_942 = tpu.memref_squeeze %dma_wait3A_941 : memref<1x16xf32, #tpu.memory_space<hbm>> -> memref<16xf32, #tpu.memory_space<hbm>>
        tpu.wait_dma2 semaphore(%run_scoped3A : memref<!tpu.dma_semaphore, #tpu.memory_space<semaphore_mem>>) src(%arg14 : memref<16xf32, #tpu.memory_space<vmem>>) dst(%dma_wait3A_942 : memref<16xf32, #tpu.memory_space<hbm>>)
        tpu.yield
      }) : () -> ()
    } else {
    }
    return
  }
}

module attributes {stable_mosaic.version = 14 : i64} {
  func.func @_argmin_body(%arg0: i32, %arg1: memref<4096x8xbf16, #tpu.memory_space<vmem>>, %arg2: memref<8x2048xbf16, #tpu.memory_space<vmem>>, %arg3: memref<8x2048xf32, #tpu.memory_space<vmem>>, %arg4: memref<4096x3xf32, #tpu.memory_space<vmem>>, %arg5: memref<4096x1xi32, #tpu.memory_space<vmem>>, %arg6: memref<4096x128xf32, #tpu.memory_space<vmem>>, %arg7: memref<4096x128xi32, #tpu.memory_space<vmem>>) attributes {dimension_semantics = [#tpu.dimension_semantics<arbitrary>], iteration_bounds = array<i64: 8>, scalar_prefetch = 0 : i64, scratch_operands = 2 : i64, tpu.core_type = #tpu.core_type<tc>, window_params = [{pipeline_mode = #tpu.pipeline_mode<synchronous>, transform_indices = @transform_0, window_bounds = array<i64: 4096, 8>}, {transform_indices = @transform_1, window_bounds = array<i64: 8, 2048>}, {transform_indices = @transform_2, window_bounds = array<i64: 8, 2048>}, {pipeline_mode = #tpu.pipeline_mode<synchronous>, transform_indices = @transform_3, window_bounds = array<i64: 4096, 3>}, {pipeline_mode = #tpu.pipeline_mode<synchronous>, transform_indices = @transform_4, window_bounds = array<i64: 4096, 1>}]} {
    %eq3A = arith.constant 0 : i32
    %eq3A_0 = arith.cmpi eq, %arg0, %eq3A : i32
    %convert_element_type3A = arith.extui %eq3A_0 : i1 to i32
    %cond3A = arith.constant 0 : i32
    %cond3A_1 = arith.cmpi ne, %convert_element_type3A, %cond3A : i32
    scf.if %cond3A_1 {
      %broadcast_in_dim3A_153 = arith.constant 0x7F800000 : f32
      %broadcast_in_dim3A_154 = vector.broadcast %broadcast_in_dim3A_153 : f32 to vector<4096x128xf32>
      %swap3A_155 = arith.constant 0 : index
      %swap3A_156 = arith.constant 0 : index
      %swap3A_157 = vector.load %arg6[%swap3A_155, %swap3A_156] : memref<4096x128xf32, #tpu.memory_space<vmem>>, vector<4096x128xf32>
      tpu.vector_store %arg6[%swap3A_155, %swap3A_156], %broadcast_in_dim3A_154 {strides = array<i32>} : memref<4096x128xf32, #tpu.memory_space<vmem>>, vector<4096x128xf32>,
      %broadcast_in_dim3A_158 = arith.constant 0 : i32
      %broadcast_in_dim3A_159 = vector.broadcast %broadcast_in_dim3A_158 : i32 to vector<4096x128xi32>
      %swap3A_160 = arith.constant 0 : index
      %swap3A_161 = arith.constant 0 : index
      %swap3A_162 = vector.load %arg7[%swap3A_160, %swap3A_161] : memref<4096x128xi32, #tpu.memory_space<vmem>>, vector<4096x128xi32>
      tpu.vector_store %arg7[%swap3A_160, %swap3A_161], %broadcast_in_dim3A_159 {strides = array<i32>} : memref<4096x128xi32, #tpu.memory_space<vmem>>, vector<4096x128xi32>,
    } else {
    }
    %get3A = arith.constant 0 : index
    %get3A_2 = arith.constant 0 : index
    %get3A_3 = vector.load %arg1[%get3A, %get3A_2] : memref<4096x8xbf16, #tpu.memory_space<vmem>>, vector<4096x8xbf16>
    %mul3A = arith.constant -2.000000e+00 : bf16
    %mul3A_4 = vector.broadcast %mul3A : bf16 to vector<4096x8xbf16>
    %mul3A_5 = arith.mulf %get3A_3, %mul3A_4 : vector<4096x8xbf16>
    %get3A_6 = arith.constant 0 : index
    %get3A_7 = arith.constant 0 : index
    %get3A_8 = vector.load %arg2[%get3A_6, %get3A_7] : memref<8x2048xbf16, #tpu.memory_space<vmem>>, vector<8x2048xbf16>
    %dot_general3A = arith.constant dense<0.000000e+00> : vector<4096x2048xf32>
    %dot_general3A_9 = tpu.matmul %mul3A_5, %get3A_8, %dot_general3A {dimension_numbers = #tpu.dot_dimension_numbers<[1], [0], [0], [1], [0, 0, 1, 1], [], []>, transpose_lhs_hint = false} : vector<4096x8xbf16>, vector<8x2048xbf16>, vector<4096x2048xf32> -> vector<4096x2048xf32>
    %get3A_10 = arith.constant 0 : index
    %get3A_11 = arith.constant 0 : index
    %get3A_12 = vector.load %arg3[%get3A_10, %get3A_11] : memref<8x2048xf32, #tpu.memory_space<vmem>>, vector<1x2048xf32>
    %get3A_13 = arith.constant 1 : index
    %get3A_14 = arith.constant 0 : index
    %get3A_15 = vector.load %arg3[%get3A_13, %get3A_14] : memref<8x2048xf32, #tpu.memory_space<vmem>>, vector<1x2048xf32>
    %get3A_16 = arith.constant 2 : index
    %get3A_17 = arith.constant 0 : index
    %get3A_18 = vector.load %arg3[%get3A_16, %get3A_17] : memref<8x2048xf32, #tpu.memory_space<vmem>>, vector<1x2048xf32>
    %mul3A_19 = arith.mulf %get3A_12, %get3A_12 : vector<1x2048xf32>
    %mul3A_20 = arith.mulf %get3A_15, %get3A_15 : vector<1x2048xf32>
    %add3A = arith.addf %mul3A_19, %mul3A_20 : vector<1x2048xf32>
    %mul3A_21 = arith.mulf %get3A_18, %get3A_18 : vector<1x2048xf32>
    %add3A_22 = arith.addf %add3A, %mul3A_21 : vector<1x2048xf32>
    %get3A_23 = arith.constant 0 : index
    %get3A_24 = arith.constant 0 : index
    %get3A_25 = vector.load %arg4[%get3A_23, %get3A_24] : memref<4096x3xf32, #tpu.memory_space<vmem>>, vector<4096x1xf32>
    %get3A_26 = arith.constant 0 : index
    %get3A_27 = arith.constant 1 : index
    %get3A_28 = vector.load %arg4[%get3A_26, %get3A_27] : memref<4096x3xf32, #tpu.memory_space<vmem>>, vector<4096x1xf32>
    %get3A_29 = arith.constant 0 : index
    %get3A_30 = arith.constant 2 : index
    %get3A_31 = vector.load %arg4[%get3A_29, %get3A_30] : memref<4096x3xf32, #tpu.memory_space<vmem>>, vector<4096x1xf32>
    %mul3A_32 = arith.mulf %get3A_25, %get3A_25 : vector<4096x1xf32>
    %mul3A_33 = arith.mulf %get3A_28, %get3A_28 : vector<4096x1xf32>
    %add3A_34 = arith.addf %mul3A_32, %mul3A_33 : vector<4096x1xf32>
    %mul3A_35 = arith.mulf %get3A_31, %get3A_31 : vector<4096x1xf32>
    %add3A_36 = arith.addf %add3A_34, %mul3A_35 : vector<4096x1xf32>
    %add3A_37 = vector.broadcast %add3A_36 : vector<4096x1xf32> to vector<4096x2048xf32>
    %add3A_38 = vector.broadcast %add3A_22 : vector<1x2048xf32> to vector<4096x2048xf32>
    %add3A_39 = arith.addf %add3A_37, %add3A_38 : vector<4096x2048xf32>
    %add3A_40 = arith.addf %add3A_39, %dot_general3A_9 : vector<4096x2048xf32>
    %slice3A = vector.extract_strided_slice %add3A_40 {offsets = [0, 0], sizes = [4096, 128], strides = [1, 1]} : vector<4096x2048xf32> to vector<4096x128xf32>
    %slice3A_41 = vector.extract_strided_slice %add3A_40 {offsets = [0, 128], sizes = [4096, 128], strides = [1, 1]} : vector<4096x2048xf32> to vector<4096x128xf32>
    %slice3A_42 = vector.extract_strided_slice %add3A_40 {offsets = [0, 256], sizes = [4096, 128], strides = [1, 1]} : vector<4096x2048xf32> to vector<4096x128xf32>
    %slice3A_43 = vector.extract_strided_slice %add3A_40 {offsets = [0, 384], sizes = [4096, 128], strides = [1, 1]} : vector<4096x2048xf32> to vector<4096x128xf32>
    %slice3A_44 = vector.extract_strided_slice %add3A_40 {offsets = [0, 512], sizes = [4096, 128], strides = [1, 1]} : vector<4096x2048xf32> to vector<4096x128xf32>
    %slice3A_45 = vector.extract_strided_slice %add3A_40 {offsets = [0, 640], sizes = [4096, 128], strides = [1, 1]} : vector<4096x2048xf32> to vector<4096x128xf32>
    %slice3A_46 = vector.extract_strided_slice %add3A_40 {offsets = [0, 768], sizes = [4096, 128], strides = [1, 1]} : vector<4096x2048xf32> to vector<4096x128xf32>
    %slice3A_47 = vector.extract_strided_slice %add3A_40 {offsets = [0, 896], sizes = [4096, 128], strides = [1, 1]} : vector<4096x2048xf32> to vector<4096x128xf32>
    %slice3A_48 = vector.extract_strided_slice %add3A_40 {offsets = [0, 1024], sizes = [4096, 128], strides = [1, 1]} : vector<4096x2048xf32> to vector<4096x128xf32>
    %slice3A_49 = vector.extract_strided_slice %add3A_40 {offsets = [0, 1152], sizes = [4096, 128], strides = [1, 1]} : vector<4096x2048xf32> to vector<4096x128xf32>
    %slice3A_50 = vector.extract_strided_slice %add3A_40 {offsets = [0, 1280], sizes = [4096, 128], strides = [1, 1]} : vector<4096x2048xf32> to vector<4096x128xf32>
    %slice3A_51 = vector.extract_strided_slice %add3A_40 {offsets = [0, 1408], sizes = [4096, 128], strides = [1, 1]} : vector<4096x2048xf32> to vector<4096x128xf32>
    %slice3A_52 = vector.extract_strided_slice %add3A_40 {offsets = [0, 1536], sizes = [4096, 128], strides = [1, 1]} : vector<4096x2048xf32> to vector<4096x128xf32>
    %slice3A_53 = vector.extract_strided_slice %add3A_40 {offsets = [0, 1664], sizes = [4096, 128], strides = [1, 1]} : vector<4096x2048xf32> to vector<4096x128xf32>
    %slice3A_54 = vector.extract_strided_slice %add3A_40 {offsets = [0, 1792], sizes = [4096, 128], strides = [1, 1]} : vector<4096x2048xf32> to vector<4096x128xf32>
    %slice3A_55 = vector.extract_strided_slice %add3A_40 {offsets = [0, 1920], sizes = [4096, 128], strides = [1, 1]} : vector<4096x2048xf32> to vector<4096x128xf32>
    %broadcast_in_dim3A = arith.constant 0 : i32
    %broadcast_in_dim3A_56 = vector.broadcast %broadcast_in_dim3A : i32 to vector<4096x128xi32>
    %broadcast_in_dim3A_57 = arith.constant 1 : i32
    %broadcast_in_dim3A_58 = vector.broadcast %broadcast_in_dim3A_57 : i32 to vector<4096x128xi32>
    %broadcast_in_dim3A_59 = arith.constant 2 : i32
    %broadcast_in_dim3A_60 = vector.broadcast %broadcast_in_dim3A_59 : i32 to vector<4096x128xi32>
    %broadcast_in_dim3A_61 = arith.constant 3 : i32
    %broadcast_in_dim3A_62 = vector.broadcast %broadcast_in_dim3A_61 : i32 to vector<4096x128xi32>
    %broadcast_in_dim3A_63 = arith.constant 4 : i32
    %broadcast_in_dim3A_64 = vector.broadcast %broadcast_in_dim3A_63 : i32 to vector<4096x128xi32>
    %broadcast_in_dim3A_65 = arith.constant 5 : i32
    %broadcast_in_dim3A_66 = vector.broadcast %broadcast_in_dim3A_65 : i32 to vector<4096x128xi32>
    %broadcast_in_dim3A_67 = arith.constant 6 : i32
    %broadcast_in_dim3A_68 = vector.broadcast %broadcast_in_dim3A_67 : i32 to vector<4096x128xi32>
    %broadcast_in_dim3A_69 = arith.constant 7 : i32
    %broadcast_in_dim3A_70 = vector.broadcast %broadcast_in_dim3A_69 : i32 to vector<4096x128xi32>
    %broadcast_in_dim3A_71 = arith.constant 8 : i32
    %broadcast_in_dim3A_72 = vector.broadcast %broadcast_in_dim3A_71 : i32 to vector<4096x128xi32>
    %broadcast_in_dim3A_73 = arith.constant 9 : i32
    %broadcast_in_dim3A_74 = vector.broadcast %broadcast_in_dim3A_73 : i32 to vector<4096x128xi32>
    %broadcast_in_dim3A_75 = arith.constant 10 : i32
    %broadcast_in_dim3A_76 = vector.broadcast %broadcast_in_dim3A_75 : i32 to vector<4096x128xi32>
    %broadcast_in_dim3A_77 = arith.constant 11 : i32
    %broadcast_in_dim3A_78 = vector.broadcast %broadcast_in_dim3A_77 : i32 to vector<4096x128xi32>
    %broadcast_in_dim3A_79 = arith.constant 12 : i32
    %broadcast_in_dim3A_80 = vector.broadcast %broadcast_in_dim3A_79 : i32 to vector<4096x128xi32>
    %broadcast_in_dim3A_81 = arith.constant 13 : i32
    %broadcast_in_dim3A_82 = vector.broadcast %broadcast_in_dim3A_81 : i32 to vector<4096x128xi32>
    %broadcast_in_dim3A_83 = arith.constant 14 : i32
    %broadcast_in_dim3A_84 = vector.broadcast %broadcast_in_dim3A_83 : i32 to vector<4096x128xi32>
    %broadcast_in_dim3A_85 = arith.constant 15 : i32
    %broadcast_in_dim3A_86 = vector.broadcast %broadcast_in_dim3A_85 : i32 to vector<4096x128xi32>
    %lt3A = arith.cmpf olt, %slice3A_41, %slice3A : vector<4096x128xf32>
    %select_n3A = arith.select %lt3A, %slice3A_41, %slice3A : vector<4096x128xi1>, vector<4096x128xf32>
    %select_n3A_87 = arith.select %lt3A, %broadcast_in_dim3A_58, %broadcast_in_dim3A_56 : vector<4096x128xi1>, vector<4096x128xi32>
    %lt3A_88 = arith.cmpf olt, %slice3A_43, %slice3A_42 : vector<4096x128xf32>
    %select_n3A_89 = arith.select %lt3A_88, %slice3A_43, %slice3A_42 : vector<4096x128xi1>, vector<4096x128xf32>
    %select_n3A_90 = arith.select %lt3A_88, %broadcast_in_dim3A_62, %broadcast_in_dim3A_60 : vector<4096x128xi1>, vector<4096x128xi32>
    %lt3A_91 = arith.cmpf olt, %slice3A_45, %slice3A_44 : vector<4096x128xf32>
    %select_n3A_92 = arith.select %lt3A_91, %slice3A_45, %slice3A_44 : vector<4096x128xi1>, vector<4096x128xf32>
    %select_n3A_93 = arith.select %lt3A_91, %broadcast_in_dim3A_66, %broadcast_in_dim3A_64 : vector<4096x128xi1>, vector<4096x128xi32>
    %lt3A_94 = arith.cmpf olt, %slice3A_47, %slice3A_46 : vector<4096x128xf32>
    %select_n3A_95 = arith.select %lt3A_94, %slice3A_47, %slice3A_46 : vector<4096x128xi1>, vector<4096x128xf32>
    %select_n3A_96 = arith.select %lt3A_94, %broadcast_in_dim3A_70, %broadcast_in_dim3A_68 : vector<4096x128xi1>, vector<4096x128xi32>
    %lt3A_97 = arith.cmpf olt, %slice3A_49, %slice3A_48 : vector<4096x128xf32>
    %select_n3A_98 = arith.select %lt3A_97, %slice3A_49, %slice3A_48 : vector<4096x128xi1>, vector<4096x128xf32>
    %select_n3A_99 = arith.select %lt3A_97, %broadcast_in_dim3A_74, %broadcast_in_dim3A_72 : vector<4096x128xi1>, vector<4096x128xi32>
    %lt3A_100 = arith.cmpf olt, %slice3A_51, %slice3A_50 : vector<4096x128xf32>
    %select_n3A_101 = arith.select %lt3A_100, %slice3A_51, %slice3A_50 : vector<4096x128xi1>, vector<4096x128xf32>
    %select_n3A_102 = arith.select %lt3A_100, %broadcast_in_dim3A_78, %broadcast_in_dim3A_76 : vector<4096x128xi1>, vector<4096x128xi32>
    %lt3A_103 = arith.cmpf olt, %slice3A_53, %slice3A_52 : vector<4096x128xf32>
    %select_n3A_104 = arith.select %lt3A_103, %slice3A_53, %slice3A_52 : vector<4096x128xi1>, vector<4096x128xf32>
    %select_n3A_105 = arith.select %lt3A_103, %broadcast_in_dim3A_82, %broadcast_in_dim3A_80 : vector<4096x128xi1>, vector<4096x128xi32>
    %lt3A_106 = arith.cmpf olt, %slice3A_55, %slice3A_54 : vector<4096x128xf32>
    %select_n3A_107 = arith.select %lt3A_106, %slice3A_55, %slice3A_54 : vector<4096x128xi1>, vector<4096x128xf32>
    %select_n3A_108 = arith.select %lt3A_106, %broadcast_in_dim3A_86, %broadcast_in_dim3A_84 : vector<4096x128xi1>, vector<4096x128xi32>
    %lt3A_109 = arith.cmpf olt, %select_n3A_89, %select_n3A : vector<4096x128xf32>
    %select_n3A_110 = arith.select %lt3A_109, %select_n3A_89, %select_n3A : vector<4096x128xi1>, vector<4096x128xf32>
    %select_n3A_111 = arith.select %lt3A_109, %select_n3A_90, %select_n3A_87 : vector<4096x128xi1>, vector<4096x128xi32>
    %lt3A_112 = arith.cmpf olt, %select_n3A_95, %select_n3A_92 : vector<4096x128xf32>
    %select_n3A_113 = arith.select %lt3A_112, %select_n3A_95, %select_n3A_92 : vector<4096x128xi1>, vector<4096x128xf32>
    %select_n3A_114 = arith.select %lt3A_112, %select_n3A_96, %select_n3A_93 : vector<4096x128xi1>, vector<4096x128xi32>
    %lt3A_115 = arith.cmpf olt, %select_n3A_101, %select_n3A_98 : vector<4096x128xf32>
    %select_n3A_116 = arith.select %lt3A_115, %select_n3A_101, %select_n3A_98 : vector<4096x128xi1>, vector<4096x128xf32>
    %select_n3A_117 = arith.select %lt3A_115, %select_n3A_102, %select_n3A_99 : vector<4096x128xi1>, vector<4096x128xi32>
    %lt3A_118 = arith.cmpf olt, %select_n3A_107, %select_n3A_104 : vector<4096x128xf32>
    %select_n3A_119 = arith.select %lt3A_118, %select_n3A_107, %select_n3A_104 : vector<4096x128xi1>, vector<4096x128xf32>
    %select_n3A_120 = arith.select %lt3A_118, %select_n3A_108, %select_n3A_105 : vector<4096x128xi1>, vector<4096x128xi32>
    %lt3A_121 = arith.cmpf olt, %select_n3A_113, %select_n3A_110 : vector<4096x128xf32>
    %select_n3A_122 = arith.select %lt3A_121, %select_n3A_113, %select_n3A_110 : vector<4096x128xi1>, vector<4096x128xf32>
    %select_n3A_123 = arith.select %lt3A_121, %select_n3A_114, %select_n3A_111 : vector<4096x128xi1>, vector<4096x128xi32>
    %lt3A_124 = arith.cmpf olt, %select_n3A_119, %select_n3A_116 : vector<4096x128xf32>
    %select_n3A_125 = arith.select %lt3A_124, %select_n3A_119, %select_n3A_116 : vector<4096x128xi1>, vector<4096x128xf32>
    %select_n3A_126 = arith.select %lt3A_124, %select_n3A_120, %select_n3A_117 : vector<4096x128xi1>, vector<4096x128xi32>
    %lt3A_127 = arith.cmpf olt, %select_n3A_125, %select_n3A_122 : vector<4096x128xf32>
    %select_n3A_128 = arith.select %lt3A_127, %select_n3A_125, %select_n3A_122 : vector<4096x128xi1>, vector<4096x128xf32>
    %select_n3A_129 = arith.select %lt3A_127, %select_n3A_126, %select_n3A_123 : vector<4096x128xi1>, vector<4096x128xi32>
    %mul3A_130 = arith.constant 16 : i32
    %mul3A_131 = arith.muli %arg0, %mul3A_130 : i32
    %add3A_132 = vector.broadcast %mul3A_131 : i32 to vector<4096x128xi32>
    %add3A_133 = arith.addi %select_n3A_129, %add3A_132 : vector<4096x128xi32>
    %get3A_134 = arith.constant 0 : index
    %get3A_135 = arith.constant 0 : index
    %get3A_136 = vector.load %arg6[%get3A_134, %get3A_135] : memref<4096x128xf32, #tpu.memory_space<vmem>>, vector<4096x128xf32>
    %lt3A_137 = arith.cmpf olt, %select_n3A_128, %get3A_136 : vector<4096x128xf32>
    %select_n3A_138 = arith.select %lt3A_137, %select_n3A_128, %get3A_136 : vector<4096x128xi1>, vector<4096x128xf32>
    %swap3A = arith.constant 0 : index
    %swap3A_139 = arith.constant 0 : index
    %swap3A_140 = vector.load %arg6[%swap3A, %swap3A_139] : memref<4096x128xf32, #tpu.memory_space<vmem>>, vector<4096x128xf32>
    tpu.vector_store %arg6[%swap3A, %swap3A_139], %select_n3A_138 {strides = array<i32>} : memref<4096x128xf32, #tpu.memory_space<vmem>>, vector<4096x128xf32>,
    %get3A_141 = arith.constant 0 : index
    %get3A_142 = arith.constant 0 : index
    %get3A_143 = vector.load %arg7[%get3A_141, %get3A_142] : memref<4096x128xi32, #tpu.memory_space<vmem>>, vector<4096x128xi32>
    %select_n3A_144 = arith.select %lt3A_137, %add3A_133, %get3A_143 : vector<4096x128xi1>, vector<4096x128xi32>
    %swap3A_145 = arith.constant 0 : index
    %swap3A_146 = arith.constant 0 : index
    %swap3A_147 = vector.load %arg7[%swap3A_145, %swap3A_146] : memref<4096x128xi32, #tpu.memory_space<vmem>>, vector<4096x128xi32>
    tpu.vector_store %arg7[%swap3A_145, %swap3A_146], %select_n3A_144 {strides = array<i32>} : memref<4096x128xi32, #tpu.memory_space<vmem>>, vector<4096x128xi32>,
    %eq3A_148 = arith.constant 7 : i32
    %eq3A_149 = arith.cmpi eq, %arg0, %eq3A_148 : i32
    %convert_element_type3A_150 = arith.extui %eq3A_149 : i1 to i32
    %cond3A_151 = arith.constant 0 : i32
    %cond3A_152 = arith.cmpi ne, %convert_element_type3A_150, %cond3A_151 : i32
    scf.if %cond3A_152 {
      %get3A_153 = arith.constant 0 : index
      %get3A_154 = arith.constant 0 : index
      %get3A_155 = vector.load %arg6[%get3A_153, %get3A_154] : memref<4096x128xf32, #tpu.memory_space<vmem>>, vector<4096x128xf32>
      %reduce_min3A = arith.constant dense<0x7F800000> : vector<4096xf32>
      %reduce_min3A_156 = vector.multi_reduction <minimumf>, %get3A_155, %reduce_min3A [1] : vector<4096x128xf32> to vector<4096xf32>
      %broadcast_in_dim3A_157 = vector.shape_cast %reduce_min3A_156 : vector<4096xf32> to vector<4096x1xf32>
      %iota3A = tpu.iota {dimensions = array<i32: 1>} : vector<4096x128xi32>
      %get3A_158 = arith.constant 0 : index
      %get3A_159 = arith.constant 0 : index
      %get3A_160 = vector.load %arg7[%get3A_158, %get3A_159] : memref<4096x128xi32, #tpu.memory_space<vmem>>, vector<4096x128xi32>
      %mul3A_161 = arith.constant 128 : i32
      %mul3A_162 = vector.broadcast %mul3A_161 : i32 to vector<4096x128xi32>
      %mul3A_163 = arith.muli %get3A_160, %mul3A_162 : vector<4096x128xi32>
      %add3A_164 = arith.addi %mul3A_163, %iota3A : vector<4096x128xi32>
      %eq3A_165 = vector.broadcast %broadcast_in_dim3A_157 : vector<4096x1xf32> to vector<4096x128xf32>
      %eq3A_166 = arith.cmpf oeq, %get3A_155, %eq3A_165 : vector<4096x128xf32>
      %jit3A = arith.constant 1073741824 : i32
      %broadcast_in_dim3A_167 = vector.broadcast %jit3A : i32 to vector<4096x128xi32>
      %select_n3A_168 = arith.select %eq3A_166, %add3A_164, %broadcast_in_dim3A_167 : vector<4096x128xi1>, vector<4096x128xi32>
      %reduce_min3A_169 = arith.constant dense<2147483647> : vector<4096xi32>
      %reduce_min3A_170 = vector.multi_reduction <minsi>, %select_n3A_168, %reduce_min3A_169 [1] : vector<4096x128xi32> to vector<4096xi32>
      %broadcast_in_dim3A_171 = vector.shape_cast %reduce_min3A_170 : vector<4096xi32> to vector<4096x1xi32>
      %swap3A_172 = arith.constant 0 : index
      %swap3A_173 = arith.constant 0 : index
      %swap3A_174 = vector.load %arg5[%swap3A_172, %swap3A_173] : memref<4096x1xi32, #tpu.memory_space<vmem>>, vector<4096x1xi32>
      tpu.vector_store %arg5[%swap3A_172, %swap3A_173], %broadcast_in_dim3A_171 {strides = array<i32>} : memref<4096x1xi32, #tpu.memory_space<vmem>>, vector<4096x1xi32>,
    } else {
    }
    return
  }
  func.func @transform_0(%arg0: i32) -> (i32, i32) {
    %c0_i32 = arith.constant 0 : i32
    %c0_i32_0 = arith.constant 0 : i32
    %c0_i32_1 = arith.constant 0 : i32
    return %c0_i32, %c0_i32_0 : i32, i32
  }
  func.func @transform_1(%arg0: i32) -> (i32, i32) {
    %c0_i32 = arith.constant 0 : i32
    %c0_i32_0 = arith.constant 0 : i32
    return %c0_i32, %arg0 : i32, i32
  }
  func.func @transform_2(%arg0: i32) -> (i32, i32) {
    %c0_i32 = arith.constant 0 : i32
    %c0_i32_0 = arith.constant 0 : i32
    return %c0_i32, %arg0 : i32, i32
  }
  func.func @transform_3(%arg0: i32) -> (i32, i32) {
    %c0_i32 = arith.constant 0 : i32
    %c0_i32_0 = arith.constant 0 : i32
    %c0_i32_1 = arith.constant 0 : i32
    return %c0_i32, %c0_i32_0 : i32, i32
  }
  func.func @transform_4(%arg0: i32) -> (i32, i32) {
    %c0_i32 = arith.constant 0 : i32
    %c0_i32_0 = arith.constant 0 : i32
    %c0_i32_1 = arith.constant 0 : i32
    return %c0_i32, %c0_i32_0 : i32, i32
  }
}

</mosaic_0001>

<sc_bundles>
// kernel: kernel.4.cloned.1.call-start
scs
__scs_entry_jumppad:
0x0: {  	(pc) =	sbr.rel $0x88, $3  }
0x1: {  	(tag) =	ssettag $0x0;
	lr =	simm.s32 $0x1  }
0x2: {  	[smem:$0x3F9D] =	sst lr;
	_ =	strace $0xD0000000  }
0x3: {  	_ = 	snop  }
0x4: {  	_ = 	snop  }
0x5: {  	_ = 	snop  }
0x6: {  	_ = 	snop  }
0x7: {  	_ = 	snop  }
__scs_overlays_trampoline_lowered:
0x8: {  	[smem:$0x3FAC] =	sst s0  }
0x9: {  	[smem:$0x3FAD] =	sst s1  }
0xa: {  	[smem:$0x3FAE] =	sst s2  }
0xb: {  	[smem:$0x3FAF] =	sst s3  }
0xc: {  	[smem:$0x3FB0] =	sst s4  }
0xd: {  	[smem:$0x3FB1] =	sst s5  }
0xe: {  	[smem:$0x3FB2] =	sst s6  }
0xf: {  	[smem:$0x3FB3] =	sst s7  }
0x10: {  	[smem:$0x3FB4] =	sst s8  }
0x11: {  	[smem:$0x3FB5] =	sst s9;
	s0 =	simm.s32 @!p0 $0x0  }
0x12: {  	s1 =	sld [smem:$0x3F9B];
	s0 =	simm.s32 @p0 $0x1  }
0x13: {  	[smem:$0x3FB6] =	sst s0;
	s0 =	simm.s32 @!p1 $0x0  }
0x14: {  	s2 =	sld [smem:$0x3F9A];
	s0 =	simm.s32 @p1 $0x1  }
0x15: {  	[smem:$0x3FB7] =	sst s0;
	s0 =	simm.s32 @!p2 $0x0  }
0x16: {  	s3 =	sld [smem:$0x3FDB];
	s0 =	simm.s32 @p2 $0x1  }
0x17: {  	s4 =	simm.s32 $0x1BF5;
	[smem:$0x3FB9] =	sst s0  }
0x18: {  	s0 =	sld [smem:$0x3F9C];
	_ =	swait.ge [sflag:s4], $0x0  }
0x19: {  	s7 =	sld [smem:$0x3F9D]  }
0x1a: {  	s8 =	sadd.s32 $0xFFFFE003, lr  }
0x1b: {  	s9 =	sadd.s32 $0xFFFFFEF7, lr;
	s5 =	simm.s32 $0xFFFFFFFF;
	p2 =	slt.u32 s8, $0xFFFFF086  }
0x1c: {  	p1 =	slt.u32 s9, $0xF7A;
	s5 =	simm.s32 @!p2 $0x0  }
0x1d: {  	s5 =	simm.s32 @p1 $0x1;
	p0 =	seq.s32 s7, s2  }
0x1e: {  	s7 =	smul.u32 @!p0 $0xF7A, s2;
	p2 =	seq.s32 @!p0 s5, $0x0  }
0x1f: {  	s9 =	smul.u32 $0xF7A, s1;
	s8 =	simm.s32 @!p0 $0x1BF5;
	p2 =	por !p2, p0  }
0x20: {  	[sflag:s8] =	ssyncset.s32 @!p0 $0xFFFFF086;
	s6 =	sadd.s32 @!p0 s3, s7;
	s7 =	simm.s32 @!p0 $0x108  }
0x21: {  	s3 =	sadd.s32 s3, s9;
	s6 =	sadd.s32 @!p0 $0x88, s6;
	s7 =	simm.s32 @p2 $0x1082  }
0x22: {  	[simem:s7], [sflag:s8] =	dma.local @!p0 [hbm:s6], $0xF7A  }
0x23: {  	s9 =	sor.u32 $0xD0000000, s2;
	s6 =	simm.s32 $0x108;
	_ =	swait.ge @!p0 [sflag:s8], $0x0  }
0x24: {  	s3 =	sadd.s32 $0x88, s3;
	s6 =	simm.s32 @!p1 $0x1082;
	[sflag:s4] =	ssyncset.s32 $0xFFFFF086  }
0x25: {  	[simem:s6], [sflag:s4] =	dma.local [hbm:s3], $0xF7A  }
0x26: {  	[smem:$0x3F9D] =	sst s1;
	(tag) =	ssettag s2;
	_ =	strace s9  }
0x27: {  	s1 =	sld [smem:$0x3FAD]  }
0x28: {  	s2 =	sld [smem:$0x3FAE]  }
0x29: {  	s4 =	sld [smem:$0x3FB0]  }
0x2a: {  	p0 =	seq.s32 s5, $0x0;
	s5 =	sld [smem:$0x3FB1]  }
0x2b: {  	s6 =	sld [smem:$0x3FB2]  }
0x2c: {  	s7 =	sld [smem:$0x3FB3]  }
0x2d: {  	s3 =	simm.s32 $0x108;
	s8 =	sld [smem:$0x3FB4]  }
0x2e: {  	s3 =	simm.s32 @!p0 $0x1082;
	s9 =	sld [smem:$0x3FB5]  }
0x2f: {  	lr =	sadd.s32 s0, s3;
	s0 =	sld [smem:$0x3FAC]  }
0x30: {  	s3 =	sld [smem:$0x3FAF]  }
0x31: {  	[smem:$0x3FB8] =	sst s10  }
0x32: {  	s10 =	sld [smem:$0x3FB6];
	_ =	sdelay $0x3  }
0x33: {  	p0 =	seq.s32 s10, $0x1;
	s10 =	sld [smem:$0x3FB8];
	_ =	sdelay $0x3  }
0x34: {  	[smem:$0x3FB8] =	sst s10  }
0x35: {  	s10 =	sld [smem:$0x3FB7];
	_ =	sdelay $0x3  }
0x36: {  	p1 =	seq.s32 s10, $0x1;
	s10 =	sld [smem:$0x3FB8];
	_ =	sdelay $0x3  }
0x37: {  	[smem:$0x3FB8] =	sst s10  }
0x38: {  	s10 =	sld [smem:$0x3FB9]  }
0x39: {  	_ = 	snop;
	(pc) =	sbr.ind lr, $3  }
0x3a: {  	_ = 	snop  }
0x3b: {  	_ = 	snop  }
0x3c: {  	p2 =	seq.s32 s10, $0x1;
	s10 =	sld [smem:$0x3FB8]  }
0x3d: {  	_ =	shalt  }
0x3e: {  	_ =	shalt  }
0x3f: {  	_ =	shalt  }
0x40: {  	_ =	shalt  }
0x41: {  	_ =	shalt  }
0x42: {  	_ =	shalt  }
0x43: {  	_ =	shalt  }
0x44: {  	_ =	shalt  }
0x45: {  	_ =	shalt  }
0x46: {  	_ =	shalt  }
0x47: {  	_ =	shalt  }
0x48: {  	_ =	shalt  }
0x49: {  	_ =	shalt  }
0x4a: {  	_ =	shalt  }
0x4b: {  	_ =	shalt  }
0x4c: {  	_ =	shalt  }
0x4d: {  	_ =	shalt  }
0x4e: {  	_ =	shalt  }
0x4f: {  	_ =	shalt  }
0x50: {  	_ =	shalt  }
0x51: {  	_ =	shalt  }
0x52: {  	_ =	shalt  }
0x53: {  	_ =	shalt  }
0x54: {  	_ =	shalt  }
0x55: {  	_ =	shalt  }
0x56: {  	_ =	shalt  }
0x57: {  	_ =	shalt  }
0x58: {  	_ =	shalt  }
0x59: {  	_ =	shalt  }
0x5a: {  	_ =	shalt  }
0x5b: {  	_ =	shalt  }
0x5c: {  	_ =	shalt  }
0x5d: {  	_ =	shalt  }
0x5e: {  	_ =	shalt  }
0x5f: {  	_ =	shalt  }
0x60: {  	_ =	shalt  }
0x61: {  	_ =	shalt  }
0x62: {  	_ =	shalt  }
0x63: {  	_ =	shalt  }
0x64: {  	_ =	shalt  }
0x65: {  	_ =	shalt  }
0x66: {  	_ =	shalt  }
0x67: {  	_ =	shalt  }
0x68: {  	_ =	shalt  }
0x69: {  	_ =	shalt  }
0x6a: {  	_ =	shalt  }
0x6b: {  	_ =	shalt  }
0x6c: {  	_ =	shalt  }
0x6d: {  	_ =	shalt  }
0x6e: {  	_ =	shalt  }
0x6f: {  	_ =	shalt  }
0x70: {  	_ =	shalt  }
0x71: {  	_ =	shalt  }
0x72: {  	_ =	shalt  }
0x73: {  	_ =	shalt  }
0x74: {  	_ =	shalt  }
0x75: {  	_ =	shalt  }
0x76: {  	_ =	shalt  }
0x77: {  	_ =	shalt  }
0x78: {  	_ =	shalt  }
0x79: {  	_ =	shalt  }
0x7a: {  	_ =	shalt  }
0x7b: {  	_ =	shalt  }
0x7c: {  	_ =	shalt  }
0x7d: {  	_ =	shalt  }
0x7e: {  	_ =	shalt  }
0x7f: {  	_ =	shalt  }
0x80: {  	_ =	shalt  }
0x81: {  	_ =	shalt  }
0x82: {  	_ =	shalt  }
0x83: {  	_ =	shalt  }
0x84: {  	_ =	shalt  }
0x85: {  	_ =	shalt  }
0x86: {  	_ =	shalt  }
0x87: {  	_ =	shalt  }
.Lfunc_end0:
.L_simem_size_0:
called_computation_lowered:
.L_overlay_start_0:
0x88: {  	s2 =	sld [smem:$0x3FD9]  }
0x89: {  	s3 =	sld [smem:$0x3FFE];
	_ =	sdelay $0x1  }
0x8a: {  	s1 =	srdreg.scid  }
0x8b: {  	s0 =	sand.u32 $0x1, s1  }
0x8c: {  	s17 =	sshll.u32 s0, $0xA;
	s2 =	sadd.s32 s3, s2  }
0x8d: {  	s2 =	sadd.s32 s2, s17  }
0x8e: {  	[smem:$0x3FC4] =	sst s2  }
0x8f: {  	_ = 	snop  }
0x90: {  	s2 =	sld [smem:$0x3FC6];
	(tm) =	ssettm $0x1  }
0x91: {  	s18 =	sld [smem:$0x3FFB];
	_ =	sdelay $0x3  }
0x92: {  	_ =	strace s18  }
0x93: {  	s3 =	sld [smem:$0x3FFC];
	_ =	sdelay $0x3  }
0x94: {  	_ =	strace s3  }
0x95: {  	s3 =	sld [smem:$0x3FFD];
	_ =	sdelay $0x3  }
0x96: {  	_ =	strace s3  }
0x97: {  	_ =	strace $0x8FFFFFFF  }
0x98: {  	s19 =	sld [smem:$0x3FDB];
	_ =	sdelay $0x1  }
0x99: {  	s4 =	simm.s32 $_scs_section_size  }
0x9a: {  	s5 =	simm.s32 $_size__tile_overlayer_lowered;
	s6 =	simm.s32 $_tile_overlayer_lowered  }
0x9b: {  	s22 =	simm.s32 $0x1BFF;
	s21 =	sshll.u32 s6, $0x1;
	s3 =	sadd.s32 s4, s19  }
0x9c: {  	s7 =	simm.s32 $0x0;
	s20 =	sshll.u32 s5, $0x1;
	s5 =	sadd.s32 s21, s3  }
0x9d: {  	[timem:s7], [sflag:s22] =	dma.local [hbm:s5], s20  }
0x9e: {  	_ =	swait.ge [sflag:s22], s20  }
0x9f: {  	s4 =	ssub.s32 $0x0, s20;
	[sflag:s22] =	ssyncset.done $0x0  }
0xa0: {  	[sflag:s22] =	ssyncadd.s32 s4;
	_ =	sdelay $0x1  }
0xa1: {  	s23 =	simm.s32 $0x1B8B  }
0xa2: {  	_ =	swait.ge [sflag:s23], $0x1  }
0xa3: {  	[sflag:s23] =	ssyncset.done $0x0  }
0xa4: {  	s25 =	simm.s32 $0x1B8E;
	s24 =	sld [smem:$0x3FFE];
	[sflag:s23] =	ssyncadd.s32 $0xFFFFFFFF  }
0xa5: {  	s26 =	simm.s32 $execute0_lowered;
	[smem:$0x3FD2] =	sst s25  }
0xa6: {  	s5 =	sshll.u32 s26, $0x1;
	_ =	strace $0x80000046;
	[dreg:$0x1] =	wrdreg $0xFFFFFFFF  }
0xa7: {  	s28 =	simm.s32 $_size_execute0_lowered;
	s3 =	sadd.s32 s3, s5;
	[dreg:$0x0] =	wrdreg $0x0  }
0xa8: {  	s5 =	sshll.u32 s28, $0x1;
	[dreg:$0x2] =	wrdreg s3  }
0xa9: {  	[dreg:$0x3] =	wrdreg s5  }
0xaa: {  	[dreg:$0x4] =	wrdreg $0xC0  }
0xab: {  	_ =	task [dreg:s7], $0x5FFFF  }
0xac: {  	[dreg:$0x1] =	wrdreg $0xFFFFFFFF  }
0xad: {  	[dreg:$0x0] =	wrdreg $0x60  }
0xae: {  	[dreg:$0x2] =	wrdreg s24  }
0xaf: {  	[dreg:$0x3] =	wrdreg s2  }
0xb0: {  	[dreg:$0x4] =	wrdreg $0x4B800  }
0xb1: {  	[dreg:$0x5] =	wrdreg $0x9  }
0xb2: {  	_ =	task.clear_ibuf [dreg:s7], $0x6FFFF;
	_ =	strace $0x90000046  }
0xb3: {  	s29 =	simm.s32 $0x9;
	_ =	strace $0x80000048  }
0xb4: {  	_ =	swait.ge [sflag:s29], $0x1  }
0xb5: {  	[sflag:s29] =	ssyncadd.s32 $0xFFFFFFFF  }
0xb6: {  	_ =	strace $0x90000048  }
0xb7: {  	_ =	sfence  }
0xb8: {  	s30 =	sld [smem:$0x0];
	_ =	sdelay $0x2  }
0xb9: {  	s31 =	sshll.u32 s1, $0xD;
	s1 =	sshrl.u32 s1, $0x2  }
0xba: {  	s3 =	sand.u32 $0x4000, s31;
	s1 =	sadd.s32 s1, s30  }
0xbb: {  	s0 =	sor.u32 s3, s0;
	s1 =	sshll.u32 s1, $0x11  }
0xbc: {  	s0 =	sor.u32 s1, s0  }
0xbd: {  	s0 =	sadd.s32 $0x8F2B, s0  }
0xbe: {  	[sflag:s0] =	ssyncadd.remote.s32 $0x1  }
0xbf: {  	_ =	sfence.sel $0xFFFF  }
0xc0: {  	[dreg:$0x0] =	wrdreg $0xFFFFFFFF;
	(pc) =	sbr.abs _section_cstart, $3  }
0xc1: {  	[dreg:$0x1] =	wrdreg $0xFFFFFFFF  }
0xc2: {  	_ =	task.clear_ibuf [dreg:s7], $0x2FFFF;
	_ =	strace $0x9FFFFFFF  }
0xc3: {  	(tm) =	ssettm $0x7FFFFFFF  }
tec
execute0_lowered:
.L_overlay_start_1:
0x0: {  	(tag) =	ssettag $0x1  }
0x1: {  	v0 =	vlaneseq.u32  }
0x2: {  	v0 =	vmul.u32 $0x80, v0;
	_ =	sdelay $0x1  }
0x3: {  	v1 =	vor.u32 $0x1, v0;
	v14 =	vor.u32 $0x1002, v0;
	v15 =	vor.u32 $0x1003, v0  }
0x4: {  	s3 =	rddreg [dreg:$0x0];
	v16 =	vor.u32 $0x1004, v0;
	v17 =	vor.u32 $0x1005, v0;
	v18 =	vor.u32 $0x1800, v0  }
0x5: {  	s8 =	rddreg [dreg:$0x1];
	v19 =	vor.u32 $0x1801, v0;
	v20 =	vor.u32 $0x1802, v0;
	[tilespmem:$0x1FF30] =	vst v1;
	v1 =	vor.u32 $0x2, v0  }
0x6: {  	s6 =	rddreg [dreg:$0x2];
	v21 =	vor.u32 $0x1803, v0;
	v22 =	vor.u32 $0x1804, v0;
	[tilespmem:$0x1FF40] =	vst v1;
	v1 =	vor.u32 $0x3, v0  }
0x7: {  	s0 =	rddreg [dreg:$0x3];
	s1 =	simm.s32 $0x0;
	s2 =	srdreg.scid;
	v23 =	vor.u32 $0x1805, v0;
	v24 =	vor.u32 $0x2000, v0;
	[tilespmem:$0x1FF50] =	vst v1;
	v1 =	vor.u32 $0x4, v0  }
0x8: {  	s12 =	stileid.u32;
	s16 =	simm.s32 $0x4100;
	s17 =	simm.s32 $0x4180;
	v25 =	vor.u32 $0x2001, v0;
	v26 =	vor.u32 $0x2002, v0;
	[tilespmem:$0x1FF60] =	vst v1;
	v1 =	vor.u32 $0x5, v0  }
0x9: {  	s15 =	simm.s32 $0x1;
	s18 =	simm.s32 $0x4200;
	s19 =	simm.s32 $0x4280;
	v27 =	vor.u32 $0x2003, v0;
	v28 =	vor.u32 $0x2004, v0;
	[tilespmem:$0x1FF70] =	vst v1;
	v1 =	vor.u32 $0x800, v0  }
0xa: {  	s20 =	simm.s32 $0x4300;
	[smem:$0x7FF] =	sst s1;
	s4 =	sand.u32 $0x1, s2;
	v29 =	vor.u32 $0x2005, v0;
	v30 =	vor.u32 $0x2800, v0;
	[tilespmem:$0x1FF80] =	vst v1;
	v1 =	vor.u32 $0x801, v0  }
0xb: {  	s5 =	sshll.u32 s12, $0x5;
	s2 =	sadd.s32 $0x800, s3;
	s14 =	sshll.u32 s12, $0x7;
	v31 =	vor.u32 $0x2801, v0;
	v32 =	vor.u32 $0x2802, v0;
	[tilespmem:$0x1FF90] =	vst v1;
	v1 =	vor.u32 $0x802, v0  }
0xc: {  	s6 =	sadd.s32 $0x800, s6;
	p0 =	sne.s32 s12, $0x0;
	s7 =	sshll.u32 s4, $0x4;
	v33 =	vor.u32 $0x2803, v0;
	v34 =	vor.u32 $0x2804, v0;
	[tilespmem:$0x1FFA0] =	vst v1;
	v1 =	vor.u32 $0x803, v0  }
0xd: {  	s12 =	simm.s32 $0x2;
	s4 =	ssub.s32 $0x2, s4;
	s9 =	sor.u32 s7, s5;
	v35 =	vor.u32 $0x2805, v0;
	v36 =	vor.u32 $0x3000, v0;
	[tilespmem:$0x1FFB0] =	vst v1;
	v1 =	vor.u32 $0x804, v0  }
0xe: {  	s11 =	sadd.s32 s7, s3;
	s31 =	sshrl.u32 s4, $0x1;
	v37 =	vor.u32 $0x3001, v0;
	v38 =	vor.u32 $0x3002, v0;
	s10 =	sadd.s32 s9, s3;
	[tilespmem:$0x1FFC0] =	vst v1;
	v1 =	vor.u32 $0x805, v0  }
0xf: {  	v39 =	vor.u32 $0x3003, v0;
	v40 =	vor.u32 $0x3004, v0;
	s13 =	ssub.s32 s4, s31;
	s8 =	sadd.s32 s8, s9;
	s9 =	sadd.s32 s14, s6;
	[tilespmem:$0x1FFD0] =	vst v1;
	v1 =	vor.u32 $0x1000, v0  }
0x10: {  	v41 =	vor.u32 $0x3005, v0;
	v42 =	vor.u32 $0x3800, v0;
	s14 =	simm.s32 $0x100;
	s3 =	sadd.s32 $0x8E00, s10;
	s4 =	sadd.s32 $0x8800, s10;
	[tilespmem:$0x1FFE0] =	vst v1;
	v1 =	vor.u32 $0x1001, v0  }
0x11: {  	v43 =	vor.u32 $0x3801, v0;
	v44 =	vor.u32 $0x3802, v0;
	s5 =	sadd.s32 $0x8A00, s10;
	s7 =	sadd.s32 $0x8C00, s10;
	s10 =	sadd.s32 $0x9000, s11;
	[tilespmem:$0x1FFF0] =	vst v1  }
0x12: {  	v45 =	vor.u32 $0x3803, v0;
	v46 =	vor.u32 $0x3804, v0;
	v47 =	vor.u32 $0x3805, v0;
	s11 =	smax.u32 s13, $0x1;
	s13 =	simm.s32 $0x80;
	_ =	strace $0x80000047  }
.LBB2_1:
0x13: {  	[tilespmem:s1], [sflag:$0x2] =	stream.linear.gather [hbm4b:s3+s1], $0x80, $0x38;
	[tilespmem:$0x4BA0] =	vst v63  }
0x14: {  	_ =	swait.ge [sflag:s12], $0x80  }
0x15: {  	[sflag:s12] =	ssyncset.done $0x0  }
0x16: {  	[sflag:s12] =	ssyncadd.s32 $0xFFFFFF80  }
0x17: {  	v1 =	vld [tilespmem:$0x0]  }
0x18: {  	v2 =	vld [tilespmem:$0x10]  }
0x19: {  	v48 =	vld [tilespmem:$0x20]  }
0x1a: {  	v49 =	vld [tilespmem:$0x30]  }
0x1b: {  	v50 =	vld [tilespmem:$0x40]  }
0x1c: {  	v51 =	vld [tilespmem:$0x50];
	v1 =	vshra.s32 v1, $0x3  }
0x1d: {  	[tilespmem:$0x80] =	vst v1;
	v1 =	vshra.s32 v2, $0x3;
	v2 =	vld [tilespmem:$0x60]  }
0x1e: {  	v5 =	vld [tilespmem:$0x70];
	[tilespmem:$0x90] =	vst v1;
	v1 =	vshra.s32 v48, $0x3  }
0x1f: {  	[tilespmem:$0xA0] =	vst v1;
	v1 =	vshra.s32 v49, $0x3  }
0x20: {  	[tilespmem:$0xB0] =	vst v1;
	v1 =	vshra.s32 v50, $0x3  }
0x21: {  	[tilespmem:$0xC0] =	vst v1;
	v1 =	vshra.s32 v51, $0x3  }
0x22: {  	[tilespmem:$0xD0] =	vst v1;
	v1 =	vshra.s32 v2, $0x3  }
0x23: {  	[tilespmem:$0xE0] =	vst v1;
	v1 =	vshra.s32 v5, $0x3  }
0x24: {  	[tilespmem:$0xF0] =	vst v1  }
0x25: {  	[tilespmem:s14], [sflag:$0x1] =	stream.indirect.gather [hbm4b:s2+s13], $0x80, s13, s13, $0xb8;
	[tilespmem:$0x4BA0] =	vst v63  }
0x26: {  	_ =	swait.ge [sflag:s15], $0x4000  }
0x27: {  	[sflag:s15] =	ssyncset.done $0x0  }
0x28: {  	[sflag:s15] =	ssyncadd.s32 $0xFFFFC000  }
0x29: {  	[tilespmem:s16], [sflag:$0x2] =	stream.linear.gather [hbm4b:s4+s1], $0x80, $0x38;
	[tilespmem:$0x4BA0] =	vst v63  }
0x2a: {  	_ =	swait.ge [sflag:s12], $0x80  }
0x2b: {  	[sflag:s12] =	ssyncset.done $0x0  }
0x2c: {  	[sflag:s12] =	ssyncadd.s32 $0xFFFFFF80  }
0x2d: {  	[tilespmem:s17], [sflag:$0x2] =	stream.linear.gather [hbm4b:s5+s1], $0x80, $0x38;
	[tilespmem:$0x4BA0] =	vst v63  }
0x2e: {  	_ =	swait.ge [sflag:s12], $0x80  }
0x2f: {  	[sflag:s12] =	ssyncset.done $0x0  }
0x30: {  	[sflag:s12] =	ssyncadd.s32 $0xFFFFFF80  }
0x31: {  	[tilespmem:s18], [sflag:$0x2] =	stream.linear.gather [hbm4b:s7+s1], $0x80, $0x38;
	[tilespmem:$0x4BA0] =	vst v63  }
0x32: {  	_ =	swait.ge [sflag:s12], $0x80  }
0x33: {  	[sflag:s12] =	ssyncset.done $0x0  }
0x34: {  	[sflag:s12] =	ssyncadd.s32 $0xFFFFFF80  }
0x35: {  	[tilespmem:s19], [sflag:$0x2] =	stream.linear.gather [hbm4b:s8+s1], $0x80, $0x38;
	[tilespmem:$0x4BA0] =	vst v63  }
0x36: {  	_ =	swait.ge [sflag:s12], $0x80  }
0x37: {  	[sflag:s12] =	ssyncset.done $0x0  }
0x38: {  	[sflag:s12] =	ssyncadd.s32 $0xFFFFFF80  }
0x39: {  	v1 =	vld [tilespmem:$0x0];
	_ =	sdelay $0x1  }
0x3a: {  	v2 =	vld [tilespmem:$0x1FF50];
	_ =	sdelay $0x2  }
0x3b: {  	v1 =	vshll.u32 v1, $0x4  }
0x3c: {  	v1 =	vand.u32 $0x70, v1  }
0x3d: {  	v2 =	vor.u32 v2, v1;
	_ =	sdelay $0x4  }
0x3e: {  	v2 =	vld.idx.msk [tilespmem:v2+s14+$0x0], $0xffff;
	_ =	sdelay $0x4  }
0x3f: {  	v2 =	vmul.f32 $1.442695020e+00, v2;
	_ =	sdelay $0x1  }
0x40: {  	(erf) = vpow2.f32 v2;
	v2 =	vld [tilespmem:$0x1FF60];
	_ =	sdelay $0x4  }
0x41: {  	v2 =	vor.u32 v2, v1;
	_ =	sdelay $0x4  }
0x42: {  	v2 =	vld.idx.msk [tilespmem:v2+s14+$0x0], $0xffff;
	_ =	sdelay $0x2  }
0x43: {  	v6 =	vpop (erf)  }
0x44: {  	v48 =	vadd.f32 $9.999999970e-07, v6  }
0x45: {  	v2 =	vmul.f32 $1.442695020e+00, v2  }
0x46: {  	(erf) = vrcp.f32 v48  }
0x47: {  	(erf) = vpow2.f32 v2;
	v2 =	vld [tilespmem:$0x1FF70];
	_ =	sdelay $0x4  }
0x48: {  	v2 =	vor.u32 v2, v1;
	_ =	sdelay $0x4  }
0x49: {  	v2 =	vld.idx.msk [tilespmem:v2+s14+$0x0], $0xffff;
	_ =	sdelay $0x1  }
0x4a: {  	v48 =	vpop (erf)  }
0x4b: {  	v7 =	vpop (erf)  }
0x4c: {  	v49 =	vadd.f32 $9.999999970e-07, v7  }
0x4d: {  	v2 =	vmul.f32 $1.442695020e+00, v2  }
0x4e: {  	(erf) = vrcp.f32 v49  }
0x4f: {  	v3 =	vld [tilespmem:$0x1FF30];
	(erf) = vpow2.f32 v2;
	_ =	sdelay $0x4  }
0x50: {  	v8 =	vor.u32 v3, v1;
	v3 =	vld [tilespmem:$0x1FF40];
	_ =	sdelay $0x2  }
0x51: {  	v2 =	vor.u32 v0, v1;
	v9 =	vpop (erf)  }
0x52: {  	v10 =	vpop (erf)  }
0x53: {  	v11 =	vld [tilespmem:$0x4100];
	v1 =	vor.u32 v3, v1;
	v51 =	vadd.f32 $9.999999970e-07, v10  }
0x54: {  	v52 =	vld [tilespmem:$0x4180]  }
0x55: {  	v49 =	vld.idx.msk [tilespmem:v8+s14+$0x0], $0xffff;
	(erf) = vrcp.f32 v51  }
0x56: {  	v2 =	vld.idx.msk [tilespmem:v2+s14+$0x0], $0xffff  }
0x57: {  	v53 =	vld [tilespmem:$0x4200]  }
0x58: {  	v1 =	vld.idx.msk [tilespmem:v1+s14+$0x0], $0xffff;
	_ =	sdelay $0x1  }
0x59: {  	v49 =	vsub.f32 v52, v49  }
0x5a: {  	v2 =	vsub.f32 v11, v2  }
0x5b: {  	v54 =	vmul.f32 v9, v49  }
0x5c: {  	v1 =	vsub.f32 v53, v1;
	v2 =	vmul.f32 v48, v2  }
0x5d: {  	v48 =	vmul.f32 v54, v54;
	v55 =	vpop (erf)  }
0x5e: {  	v2 =	vmul.f32 v2, v2;
	v1 =	vmul.f32 v55, v1;
	_ =	sdelay $0x1  }
0x5f: {  	v2 =	vadd.f32 v48, v2;
	v1 =	vmul.f32 v1, v1;
	_ =	sdelay $0x1  }
0x60: {  	v48 =	vadd.f32 v1, v2;
	_ =	sdelay $0x1  }
0x61: {  	v1 =	vshra.s32 v48, $0x1  }
0x62: {  	v1 =	vadd.s32 $0x1FBD1DF5, v1  }
0x63: {  	(erf) = vrcp.f32 v1;
	_ =	sdelay $0x8  }
0x64: {  	v2 =	vpop (erf)  }
0x65: {  	v2 =	vmul.f32 v2, v48;
	_ =	sdelay $0x1  }
0x66: {  	v1 =	vadd.f32 v1, v2;
	_ =	sdelay $0x1  }
0x67: {  	v2 =	vld [tilespmem:$0x10];
	v1 =	vmul.f32 $5.000000000e-01, v1;
	_ =	sdelay $0x1  }
0x68: {  	v3 =	vld [tilespmem:$0x1FFB0];
	(erf) = vrcp.f32 v1;
	_ =	sdelay $0x2  }
0x69: {  	v2 =	vshll.u32 v2, $0x4  }
0x6a: {  	v2 =	vand.u32 $0x70, v2  }
0x6b: {  	v56 =	vor.u32 v3, v2;
	_ =	sdelay $0x3  }
0x6c: {  	v57 =	vpop (erf)  }
0x6d: {  	v58 =	vld.idx.msk [tilespmem:v56+s14+$0x0], $0xffff;
	v50 =	vmul.f32 v57, v48;
	_ =	sdelay $0x1  }
0x6e: {  	v1 =	vadd.f32 v50, v1;
	_ =	sdelay $0x1  }
0x6f: {  	v49 =	vmul.f32 $5.000000000e-01, v1  }
0x70: {  	v1 =	vmul.f32 $1.442695020e+00, v58  }
0x71: {  	(erf) = vrcp.f32 v49  }
0x72: {  	(erf) = vpow2.f32 v1;
	v1 =	vld [tilespmem:$0x1FFC0];
	_ =	sdelay $0x4  }
0x73: {  	v1 =	vor.u32 v1, v2;
	_ =	sdelay $0x4  }
0x74: {  	v1 =	vld.idx.msk [tilespmem:v1+s14+$0x0], $0xffff;
	_ =	sdelay $0x1  }
0x75: {  	v50 =	vpop (erf)  }
0x76: {  	v59 =	vpop (erf)  }
0x77: {  	v51 =	vadd.f32 $9.999999970e-07, v59  }
0x78: {  	v1 =	vmul.f32 $1.442695020e+00, v1  }
0x79: {  	(erf) = vrcp.f32 v51  }
0x7a: {  	(erf) = vpow2.f32 v1;
	v1 =	vld [tilespmem:$0x1FFD0];
	_ =	sdelay $0x4  }
0x7b: {  	v1 =	vor.u32 v1, v2;
	_ =	sdelay $0x4  }
0x7c: {  	v1 =	vld.idx.msk [tilespmem:v1+s14+$0x0], $0xffff;
	_ =	sdelay $0x1  }
0x7d: {  	v51 =	vpop (erf)  }
0x7e: {  	v60 =	vpop (erf)  }
0x7f: {  	v52 =	vadd.f32 $9.999999970e-07, v60  }
0x80: {  	v1 =	vmul.f32 $1.442695020e+00, v1  }
0x81: {  	(erf) = vrcp.f32 v52  }
0x82: {  	v3 =	vld [tilespmem:$0x1FF90];
	(erf) = vpow2.f32 v1;
	_ =	sdelay $0x2  }
0x83: {  	v1 =	vld [tilespmem:$0x1FF80];
	_ =	sdelay $0x1  }
0x84: {  	v61 =	vor.u32 v3, v2;
	v3 =	vld [tilespmem:$0x1FFA0];
	_ =	sdelay $0x2  }
0x85: {  	v62 =	vpop (erf);
	v1 =	vor.u32 v1, v2  }
0x86: {  	v54 =	vpop (erf)  }
0x87: {  	v63 =	vld [tilespmem:$0x4110];
	v2 =	vor.u32 v3, v2;
	v54 =	vadd.f32 $9.999999970e-07, v54  }
0x88: {  	v55 =	vld [tilespmem:$0x4190]  }
0x89: {  	v52 =	vld.idx.msk [tilespmem:v61+s14+$0x0], $0xffff;
	(erf) = vrcp.f32 v54  }
0x8a: {  	v1 =	vld.idx.msk [tilespmem:v1+s14+$0x0], $0xffff  }
0x8b: {  	v56 =	vld [tilespmem:$0x4210]  }
0x8c: {  	v2 =	vld.idx.msk [tilespmem:v2+s14+$0x0], $0xffff;
	_ =	sdelay $0x1  }
0x8d: {  	v52 =	vsub.f32 v55, v52  }
0x8e: {  	v1 =	vsub.f32 v63, v1  }
0x8f: {  	v4 =	vmul.f32 v62, v52  }
0x90: {  	v2 =	vsub.f32 v56, v2;
	v1 =	vmul.f32 v51, v1  }
0x91: {  	v51 =	vmul.f32 v4, v4;
	v5 =	vpop (erf)  }
0x92: {  	v1 =	vmul.f32 v1, v1;
	v2 =	vmul.f32 v5, v2;
	_ =	sdelay $0x1  }
0x93: {  	v1 =	vadd.f32 v51, v1;
	v2 =	vmul.f32 v2, v2;
	_ =	sdelay $0x1  }
0x94: {  	v51 =	vadd.f32 v2, v1;
	_ =	sdelay $0x1  }
0x95: {  	v1 =	vshra.s32 v51, $0x1  }
0x96: {  	v1 =	vadd.s32 $0x1FBD1DF5, v1  }
0x97: {  	(erf) = vrcp.f32 v1;
	_ =	sdelay $0x8  }
0x98: {  	v2 =	vpop (erf)  }
0x99: {  	v2 =	vmul.f32 v2, v51;
	_ =	sdelay $0x1  }
0x9a: {  	v1 =	vadd.f32 v1, v2;
	_ =	sdelay $0x1  }
0x9b: {  	v2 =	vld [tilespmem:$0x20];
	v1 =	vmul.f32 $5.000000000e-01, v1;
	_ =	sdelay $0x1  }
0x9c: {  	(erf) = vrcp.f32 v1;
	_ =	sdelay $0x2  }
0x9d: {  	v2 =	vshll.u32 v2, $0x4  }
0x9e: {  	v2 =	vand.u32 $0x70, v2  }
0x9f: {  	v6 =	vor.u32 v15, v2;
	_ =	sdelay $0x3  }
0xa0: {  	v7 =	vpop (erf)  }
0xa1: {  	v8 =	vld.idx.msk [tilespmem:v6+s14+$0x0], $0xffff;
	v53 =	vmul.f32 v7, v51;
	_ =	sdelay $0x1  }
0xa2: {  	v1 =	vadd.f32 v53, v1;
	_ =	sdelay $0x1  }
0xa3: {  	v52 =	vmul.f32 $5.000000000e-01, v1  }
0xa4: {  	v1 =	vmul.f32 $1.442695020e+00, v8  }
0xa5: {  	(erf) = vrcp.f32 v52  }
0xa6: {  	(erf) = vpow2.f32 v1  }
0xa7: {  	v1 =	vor.u32 v16, v2;
	_ =	sdelay $0x4  }
0xa8: {  	v1 =	vld.idx.msk [tilespmem:v1+s14+$0x0], $0xffff;
	_ =	sdelay $0x1  }
0xa9: {  	v53 =	vpop (erf)  }
0xaa: {  	v9 =	vpop (erf)  }
0xab: {  	v54 =	vadd.f32 $9.999999970e-07, v9  }
0xac: {  	v1 =	vmul.f32 $1.442695020e+00, v1  }
0xad: {  	(erf) = vrcp.f32 v54  }
0xae: {  	(erf) = vpow2.f32 v1  }
0xaf: {  	v1 =	vor.u32 v17, v2;
	_ =	sdelay $0x4  }
0xb0: {  	v1 =	vld.idx.msk [tilespmem:v1+s14+$0x0], $0xffff;
	_ =	sdelay $0x1  }
0xb1: {  	v54 =	vpop (erf)  }
0xb2: {  	v10 =	vpop (erf)  }
0xb3: {  	v55 =	vadd.f32 $9.999999970e-07, v10  }
0xb4: {  	v1 =	vmul.f32 $1.442695020e+00, v1  }
0xb5: {  	(erf) = vrcp.f32 v55  }
0xb6: {  	(erf) = vpow2.f32 v1;
	_ =	sdelay $0x1  }
0xb7: {  	v3 =	vld [tilespmem:$0x1FFF0]  }
0xb8: {  	v1 =	vld [tilespmem:$0x1FFE0];
	_ =	sdelay $0x3  }
0xb9: {  	v11 =	vor.u32 v3, v2  }
0xba: {  	v1 =	vor.u32 v1, v2;
	v60 =	vpop (erf)  }
0xbb: {  	v57 =	vpop (erf)  }
0xbc: {  	v58 =	vld [tilespmem:$0x41A0];
	v2 =	vor.u32 v14, v2;
	v57 =	vadd.f32 $9.999999970e-07, v57  }
0xbd: {  	v61 =	vld [tilespmem:$0x4120]  }
0xbe: {  	v55 =	vld.idx.msk [tilespmem:v11+s14+$0x0], $0xffff;
	(erf) = vrcp.f32 v57  }
0xbf: {  	v1 =	vld.idx.msk [tilespmem:v1+s14+$0x0], $0xffff  }
0xc0: {  	v59 =	vld [tilespmem:$0x4220]  }
0xc1: {  	v2 =	vld.idx.msk [tilespmem:v2+s14+$0x0], $0xffff;
	_ =	sdelay $0x1  }
0xc2: {  	v55 =	vsub.f32 v58, v55  }
0xc3: {  	v1 =	vsub.f32 v61, v1  }
0xc4: {  	v62 =	vmul.f32 v60, v55  }
0xc5: {  	v2 =	vsub.f32 v59, v2;
	v1 =	vmul.f32 v54, v1  }
0xc6: {  	v54 =	vmul.f32 v62, v62;
	v63 =	vpop (erf)  }
0xc7: {  	v1 =	vmul.f32 v1, v1;
	v2 =	vmul.f32 v63, v2;
	_ =	sdelay $0x1  }
0xc8: {  	v1 =	vadd.f32 v54, v1;
	v2 =	vmul.f32 v2, v2;
	_ =	sdelay $0x1  }
0xc9: {  	v54 =	vadd.f32 v2, v1;
	_ =	sdelay $0x1  }
0xca: {  	v1 =	vshra.s32 v54, $0x1  }
0xcb: {  	v1 =	vadd.s32 $0x1FBD1DF5, v1  }
0xcc: {  	(erf) = vrcp.f32 v1;
	_ =	sdelay $0x8  }
0xcd: {  	v2 =	vpop (erf)  }
0xce: {  	v2 =	vmul.f32 v2, v54;
	_ =	sdelay $0x1  }
0xcf: {  	v1 =	vadd.f32 v1, v2;
	_ =	sdelay $0x1  }
0xd0: {  	v2 =	vld [tilespmem:$0x30];
	v1 =	vmul.f32 $5.000000000e-01, v1;
	_ =	sdelay $0x1  }
0xd1: {  	(erf) = vrcp.f32 v1;
	_ =	sdelay $0x2  }
0xd2: {  	v2 =	vshll.u32 v2, $0x4  }
0xd3: {  	v2 =	vand.u32 $0x70, v2  }
0xd4: {  	v4 =	vor.u32 v21, v2;
	_ =	sdelay $0x3  }
0xd5: {  	v5 =	vpop (erf)  }
0xd6: {  	v6 =	vld.idx.msk [tilespmem:v4+s14+$0x0], $0xffff;
	v56 =	vmul.f32 v5, v54;
	_ =	sdelay $0x1  }
0xd7: {  	v1 =	vadd.f32 v56, v1;
	_ =	sdelay $0x1  }
0xd8: {  	v55 =	vmul.f32 $5.000000000e-01, v1  }
0xd9: {  	v1 =	vmul.f32 $1.442695020e+00, v6  }
0xda: {  	(erf) = vrcp.f32 v55  }
0xdb: {  	(erf) = vpow2.f32 v1  }
0xdc: {  	v1 =	vor.u32 v22, v2;
	_ =	sdelay $0x4  }
0xdd: {  	v1 =	vld.idx.msk [tilespmem:v1+s14+$0x0], $0xffff;
	_ =	sdelay $0x1  }
0xde: {  	v56 =	vpop (erf)  }
0xdf: {  	v7 =	vpop (erf)  }
0xe0: {  	v57 =	vadd.f32 $9.999999970e-07, v7  }
0xe1: {  	v1 =	vmul.f32 $1.442695020e+00, v1  }
0xe2: {  	(erf) = vrcp.f32 v57  }
0xe3: {  	(erf) = vpow2.f32 v1  }
0xe4: {  	v1 =	vor.u32 v23, v2;
	_ =	sdelay $0x4  }
0xe5: {  	v1 =	vld.idx.msk [tilespmem:v1+s14+$0x0], $0xffff;
	_ =	sdelay $0x1  }
0xe6: {  	v57 =	vpop (erf)  }
0xe7: {  	v8 =	vpop (erf)  }
0xe8: {  	v58 =	vadd.f32 $9.999999970e-07, v8  }
0xe9: {  	v1 =	vmul.f32 $1.442695020e+00, v1  }
0xea: {  	(erf) = vrcp.f32 v58  }
0xeb: {  	(erf) = vpow2.f32 v1;
	_ =	sdelay $0x6  }
0xec: {  	v9 =	vor.u32 v19, v2  }
0xed: {  	v1 =	vor.u32 v18, v2;
	v10 =	vpop (erf)  }
0xee: {  	v11 =	vld [tilespmem:$0x4130];
	v2 =	vor.u32 v20, v2;
	v60 =	vpop (erf)  }
0xef: {  	v61 =	vld [tilespmem:$0x41B0];
	v60 =	vadd.f32 $9.999999970e-07, v60  }
0xf0: {  	v62 =	vld [tilespmem:$0x4230]  }
0xf1: {  	v58 =	vld.idx.msk [tilespmem:v9+s14+$0x0], $0xffff;
	(erf) = vrcp.f32 v60  }
0xf2: {  	v1 =	vld.idx.msk [tilespmem:v1+s14+$0x0], $0xffff  }
0xf3: {  	v2 =	vld.idx.msk [tilespmem:v2+s14+$0x0], $0xffff;
	_ =	sdelay $0x2  }
0xf4: {  	v58 =	vsub.f32 v61, v58  }
0xf5: {  	v1 =	vsub.f32 v11, v1  }
0xf6: {  	v2 =	vsub.f32 v62, v2;
	v62 =	vmul.f32 v10, v58  }
0xf7: {  	v1 =	vmul.f32 v57, v1  }
0xf8: {  	v57 =	vmul.f32 v62, v62;
	v63 =	vpop (erf)  }
0xf9: {  	v1 =	vmul.f32 v1, v1;
	v2 =	vmul.f32 v63, v2;
	_ =	sdelay $0x1  }
0xfa: {  	v1 =	vadd.f32 v57, v1;
	v2 =	vmul.f32 v2, v2;
	_ =	sdelay $0x1  }
0xfb: {  	v57 =	vadd.f32 v2, v1;
	_ =	sdelay $0x1  }
0xfc: {  	v1 =	vshra.s32 v57, $0x1  }
0xfd: {  	v1 =	vadd.s32 $0x1FBD1DF5, v1  }
0xfe: {  	(erf) = vrcp.f32 v1;
	_ =	sdelay $0x8  }
0xff: {  	v2 =	vpop (erf)  }
0x100: {  	v2 =	vmul.f32 v2, v57;
	_ =	sdelay $0x1  }
0x101: {  	v1 =	vadd.f32 v1, v2;
	_ =	sdelay $0x1  }
0x102: {  	v2 =	vld [tilespmem:$0x40];
	v1 =	vmul.f32 $5.000000000e-01, v1;
	_ =	sdelay $0x1  }
0x103: {  	(erf) = vrcp.f32 v1;
	_ =	sdelay $0x2  }
0x104: {  	v2 =	vshll.u32 v2, $0x4  }
0x105: {  	v2 =	vand.u32 $0x70, v2  }
0x106: {  	v4 =	vor.u32 v27, v2;
	_ =	sdelay $0x3  }
0x107: {  	v5 =	vpop (erf)  }
0x108: {  	v6 =	vld.idx.msk [tilespmem:v4+s14+$0x0], $0xffff;
	v59 =	vmul.f32 v5, v57;
	_ =	sdelay $0x1  }
0x109: {  	v1 =	vadd.f32 v59, v1;
	_ =	sdelay $0x1  }
0x10a: {  	v58 =	vmul.f32 $5.000000000e-01, v1  }
0x10b: {  	v1 =	vmul.f32 $1.442695020e+00, v6  }
0x10c: {  	(erf) = vrcp.f32 v58  }
0x10d: {  	(erf) = vpow2.f32 v1  }
0x10e: {  	v1 =	vor.u32 v28, v2;
	_ =	sdelay $0x4  }
0x10f: {  	v1 =	vld.idx.msk [tilespmem:v1+s14+$0x0], $0xffff;
	_ =	sdelay $0x1  }
0x110: {  	v59 =	vpop (erf)  }
0x111: {  	v7 =	vpop (erf)  }
0x112: {  	v60 =	vadd.f32 $9.999999970e-07, v7  }
0x113: {  	v1 =	vmul.f32 $1.442695020e+00, v1  }
0x114: {  	(erf) = vrcp.f32 v60  }
0x115: {  	(erf) = vpow2.f32 v1  }
0x116: {  	v1 =	vor.u32 v29, v2;
	_ =	sdelay $0x4  }
0x117: {  	v1 =	vld.idx.msk [tilespmem:v1+s14+$0x0], $0xffff;
	_ =	sdelay $0x1  }
0x118: {  	v60 =	vpop (erf)  }
0x119: {  	v8 =	vpop (erf)  }
0x11a: {  	v61 =	vadd.f32 $9.999999970e-07, v8  }
0x11b: {  	v1 =	vmul.f32 $1.442695020e+00, v1  }
0x11c: {  	(erf) = vrcp.f32 v61  }
0x11d: {  	(erf) = vpow2.f32 v1;
	_ =	sdelay $0x6  }
0x11e: {  	v9 =	vor.u32 v25, v2  }
0x11f: {  	v1 =	vor.u32 v24, v2;
	v10 =	vpop (erf)  }
0x120: {  	v63 =	vpop (erf)  }
0x121: {  	v3 =	vld [tilespmem:$0x41C0];
	v2 =	vor.u32 v26, v2;
	v63 =	vadd.f32 $9.999999970e-07, v63  }
0x122: {  	v11 =	vld [tilespmem:$0x4140]  }
0x123: {  	v61 =	vld.idx.msk [tilespmem:v9+s14+$0x0], $0xffff;
	(erf) = vrcp.f32 v63  }
0x124: {  	v1 =	vld.idx.msk [tilespmem:v1+s14+$0x0], $0xffff  }
0x125: {  	v4 =	vld [tilespmem:$0x4240]  }
0x126: {  	v2 =	vld.idx.msk [tilespmem:v2+s14+$0x0], $0xffff;
	_ =	sdelay $0x1  }
0x127: {  	v3 =	vsub.f32 v3, v61  }
0x128: {  	v1 =	vsub.f32 v11, v1  }
0x129: {  	v3 =	vmul.f32 v10, v3  }
0x12a: {  	v2 =	vsub.f32 v4, v2;
	v1 =	vmul.f32 v60, v1  }
0x12b: {  	v3 =	vmul.f32 v3, v3;
	v62 =	vpop (erf)  }
0x12c: {  	v1 =	vmul.f32 v1, v1;
	v2 =	vmul.f32 v62, v2;
	_ =	sdelay $0x1  }
0x12d: {  	v1 =	vadd.f32 v3, v1;
	v2 =	vmul.f32 v2, v2;
	_ =	sdelay $0x1  }
0x12e: {  	v60 =	vadd.f32 v2, v1;
	_ =	sdelay $0x1  }
0x12f: {  	v1 =	vshra.s32 v60, $0x1  }
0x130: {  	v1 =	vadd.s32 $0x1FBD1DF5, v1  }
0x131: {  	(erf) = vrcp.f32 v1;
	_ =	sdelay $0x8  }
0x132: {  	v2 =	vpop (erf)  }
0x133: {  	v2 =	vmul.f32 v2, v60;
	_ =	sdelay $0x1  }
0x134: {  	v1 =	vadd.f32 v1, v2;
	_ =	sdelay $0x1  }
0x135: {  	v2 =	vld [tilespmem:$0x50];
	v1 =	vmul.f32 $5.000000000e-01, v1;
	_ =	sdelay $0x1  }
0x136: {  	(erf) = vrcp.f32 v1;
	_ =	sdelay $0x2  }
0x137: {  	v2 =	vshll.u32 v2, $0x4  }
0x138: {  	v2 =	vand.u32 $0x70, v2  }
0x139: {  	v3 =	vor.u32 v33, v2;
	_ =	sdelay $0x3  }
0x13a: {  	v63 =	vpop (erf)  }
0x13b: {  	v3 =	vld.idx.msk [tilespmem:v3+s14+$0x0], $0xffff;
	v4 =	vmul.f32 v63, v60;
	_ =	sdelay $0x1  }
0x13c: {  	v1 =	vadd.f32 v4, v1;
	_ =	sdelay $0x1  }
0x13d: {  	v61 =	vmul.f32 $5.000000000e-01, v1  }
0x13e: {  	v1 =	vmul.f32 $1.442695020e+00, v3  }
0x13f: {  	(erf) = vrcp.f32 v61  }
0x140: {  	(erf) = vpow2.f32 v1  }
0x141: {  	v1 =	vor.u32 v34, v2;
	_ =	sdelay $0x4  }
0x142: {  	v1 =	vld.idx.msk [tilespmem:v1+s14+$0x0], $0xffff;
	_ =	sdelay $0x1  }
0x143: {  	v62 =	vpop (erf)  }
0x144: {  	v3 =	vpop (erf)  }
0x145: {  	v3 =	vadd.f32 $9.999999970e-07, v3  }
0x146: {  	v1 =	vmul.f32 $1.442695020e+00, v1  }
0x147: {  	(erf) = vrcp.f32 v3  }
0x148: {  	(erf) = vpow2.f32 v1  }
0x149: {  	v1 =	vor.u32 v35, v2;
	_ =	sdelay $0x4  }
0x14a: {  	v1 =	vld.idx.msk [tilespmem:v1+s14+$0x0], $0xffff;
	_ =	sdelay $0x1  }
0x14b: {  	v3 =	vpop (erf)  }
0x14c: {  	v8 =	vpop (erf)  }
0x14d: {  	v4 =	vadd.f32 $9.999999970e-07, v8  }
0x14e: {  	v1 =	vmul.f32 $1.442695020e+00, v1  }
0x14f: {  	(erf) = vrcp.f32 v4  }
0x150: {  	(erf) = vpow2.f32 v1;
	_ =	sdelay $0x6  }
0x151: {  	v1 =	vor.u32 v30, v2  }
0x152: {  	v9 =	vor.u32 v31, v2;
	v10 =	vpop (erf)  }
0x153: {  	v5 =	vpop (erf)  }
0x154: {  	v6 =	vld [tilespmem:$0x41D0];
	v2 =	vor.u32 v32, v2;
	v5 =	vadd.f32 $9.999999970e-07, v5  }
0x155: {  	v11 =	vld [tilespmem:$0x4150]  }
0x156: {  	v1 =	vld.idx.msk [tilespmem:v1+s14+$0x0], $0xffff;
	(erf) = vrcp.f32 v5  }
0x157: {  	v4 =	vld.idx.msk [tilespmem:v9+s14+$0x0], $0xffff  }
0x158: {  	v7 =	vld [tilespmem:$0x4250]  }
0x159: {  	v2 =	vld.idx.msk [tilespmem:v2+s14+$0x0], $0xffff;
	_ =	sdelay $0x1  }
0x15a: {  	v1 =	vsub.f32 v11, v1  }
0x15b: {  	v4 =	vsub.f32 v6, v4  }
0x15c: {  	v1 =	vmul.f32 v3, v1  }
0x15d: {  	v2 =	vsub.f32 v7, v2;
	v3 =	vmul.f32 v10, v4  }
0x15e: {  	v1 =	vmul.f32 v1, v1;
	v8 =	vpop (erf)  }
0x15f: {  	v3 =	vmul.f32 v3, v3;
	v2 =	vmul.f32 v8, v2;
	_ =	sdelay $0x1  }
0x160: {  	v1 =	vadd.f32 v3, v1;
	v2 =	vmul.f32 v2, v2;
	_ =	sdelay $0x1  }
0x161: {  	v63 =	vadd.f32 v2, v1;
	_ =	sdelay $0x1  }
0x162: {  	v1 =	vshra.s32 v63, $0x1  }
0x163: {  	v1 =	vadd.s32 $0x1FBD1DF5, v1  }
0x164: {  	(erf) = vrcp.f32 v1;
	_ =	sdelay $0x8  }
0x165: {  	v2 =	vpop (erf)  }
0x166: {  	v2 =	vmul.f32 v2, v63;
	_ =	sdelay $0x1  }
0x167: {  	v1 =	vadd.f32 v1, v2;
	_ =	sdelay $0x1  }
0x168: {  	v2 =	vld [tilespmem:$0x60];
	v1 =	vmul.f32 $5.000000000e-01, v1;
	_ =	sdelay $0x1  }
0x169: {  	(erf) = vrcp.f32 v1;
	_ =	sdelay $0x2  }
0x16a: {  	v2 =	vshll.u32 v2, $0x4  }
0x16b: {  	v3 =	vand.u32 $0x70, v2  }
0x16c: {  	v2 =	vor.u32 v39, v3;
	_ =	sdelay $0x3  }
0x16d: {  	v9 =	vpop (erf)  }
0x16e: {  	v2 =	vld.idx.msk [tilespmem:v2+s14+$0x0], $0xffff;
	v4 =	vmul.f32 v9, v63;
	_ =	sdelay $0x1  }
0x16f: {  	v1 =	vadd.f32 v4, v1;
	_ =	sdelay $0x1  }
0x170: {  	v1 =	vmul.f32 $5.000000000e-01, v1  }
0x171: {  	v2 =	vmul.f32 $1.442695020e+00, v2  }
0x172: {  	(erf) = vrcp.f32 v1  }
0x173: {  	(erf) = vpow2.f32 v2  }
0x174: {  	v2 =	vor.u32 v40, v3;
	_ =	sdelay $0x4  }
0x175: {  	v10 =	vld.idx.msk [tilespmem:v2+s14+$0x0], $0xffff;
	_ =	sdelay $0x1  }
0x176: {  	v2 =	vpop (erf)  }
0x177: {  	v11 =	vpop (erf)  }
0x178: {  	v5 =	vadd.f32 $9.999999970e-07, v11  }
0x179: {  	v4 =	vmul.f32 $1.442695020e+00, v10  }
0x17a: {  	(erf) = vrcp.f32 v5  }
0x17b: {  	(erf) = vpow2.f32 v4  }
0x17c: {  	v8 =	vor.u32 v41, v3;
	_ =	sdelay $0x4  }
0x17d: {  	v4 =	vld.idx.msk [tilespmem:v8+s14+$0x0], $0xffff;
	_ =	sdelay $0x1  }
0x17e: {  	v5 =	vpop (erf)  }
0x17f: {  	v9 =	vpop (erf)  }
0x180: {  	v6 =	vadd.f32 $9.999999970e-07, v9  }
0x181: {  	v4 =	vmul.f32 $1.442695020e+00, v4  }
0x182: {  	(erf) = vrcp.f32 v6  }
0x183: {  	(erf) = vpow2.f32 v4;
	_ =	sdelay $0x5  }
0x184: {  	v6 =	vor.u32 v37, v3  }
0x185: {  	v4 =	vor.u32 v36, v3  }
0x186: {  	v7 =	vpop (erf)  }
0x187: {  	v10 =	vld [tilespmem:$0x4260];
	v3 =	vor.u32 v38, v3;
	v8 =	vpop (erf)  }
0x188: {  	v9 =	vld [tilespmem:$0x41E0];
	v8 =	vadd.f32 $9.999999970e-07, v8  }
0x189: {  	v6 =	vld.idx.msk [tilespmem:v6+s14+$0x0], $0xffff  }
0x18a: {  	v4 =	vld.idx.msk [tilespmem:v4+s14+$0x0], $0xffff;
	(erf) = vrcp.f32 v8  }
0x18b: {  	v8 =	vld [tilespmem:$0x4160]  }
0x18c: {  	v3 =	vld.idx.msk [tilespmem:v3+s14+$0x0], $0xffff;
	_ =	sdelay $0x2  }
0x18d: {  	v6 =	vsub.f32 v9, v6  }
0x18e: {  	v4 =	vsub.f32 v8, v4  }
0x18f: {  	v3 =	vsub.f32 v10, v3;
	v10 =	vmul.f32 v7, v6  }
0x190: {  	v4 =	vmul.f32 v5, v4  }
0x191: {  	v5 =	vmul.f32 v10, v10;
	v11 =	vpop (erf)  }
0x192: {  	v4 =	vmul.f32 v4, v4;
	v3 =	vmul.f32 v11, v3;
	_ =	sdelay $0x1  }
0x193: {  	v4 =	vadd.f32 v5, v4;
	v3 =	vmul.f32 v3, v3;
	_ =	sdelay $0x1  }
0x194: {  	v3 =	vadd.f32 v3, v4;
	_ =	sdelay $0x1  }
0x195: {  	v4 =	vshra.s32 v3, $0x1  }
0x196: {  	v4 =	vadd.s32 $0x1FBD1DF5, v4  }
0x197: {  	(erf) = vrcp.f32 v4;
	_ =	sdelay $0x8  }
0x198: {  	v9 =	vpop (erf)  }
0x199: {  	v5 =	vmul.f32 v9, v3;
	_ =	sdelay $0x1  }
0x19a: {  	v4 =	vadd.f32 v4, v5;
	_ =	sdelay $0x1  }
0x19b: {  	v10 =	vld [tilespmem:$0x70];
	v4 =	vmul.f32 $5.000000000e-01, v4;
	_ =	sdelay $0x1  }
0x19c: {  	(erf) = vrcp.f32 v4;
	_ =	sdelay $0x2  }
0x19d: {  	v5 =	vshll.u32 v10, $0x4  }
0x19e: {  	v5 =	vand.u32 $0x70, v5  }
0x19f: {  	v11 =	vor.u32 v45, v5;
	_ =	sdelay $0x3  }
0x1a0: {  	v9 =	vpop (erf)  }
0x1a1: {  	v6 =	vld.idx.msk [tilespmem:v11+s14+$0x0], $0xffff;
	v7 =	vmul.f32 v9, v3;
	_ =	sdelay $0x1  }
0x1a2: {  	v4 =	vadd.f32 v7, v4;
	_ =	sdelay $0x1  }
0x1a3: {  	v4 =	vmul.f32 $5.000000000e-01, v4  }
0x1a4: {  	v6 =	vmul.f32 $1.442695020e+00, v6  }
0x1a5: {  	(erf) = vrcp.f32 v4  }
0x1a6: {  	(erf) = vpow2.f32 v6  }
0x1a7: {  	v10 =	vor.u32 v46, v5;
	_ =	sdelay $0x4  }
0x1a8: {  	v6 =	vld.idx.msk [tilespmem:v10+s14+$0x0], $0xffff;
	_ =	sdelay $0x1  }
0x1a9: {  	v7 =	vpop (erf)  }
0x1aa: {  	v8 =	vpop (erf)  }
0x1ab: {  	v8 =	vadd.f32 $9.999999970e-07, v8  }
0x1ac: {  	v6 =	vmul.f32 $1.442695020e+00, v6  }
0x1ad: {  	(erf) = vrcp.f32 v8  }
0x1ae: {  	(erf) = vpow2.f32 v6  }
0x1af: {  	v11 =	vor.u32 v47, v5;
	_ =	sdelay $0x4  }
0x1b0: {  	v6 =	vld.idx.msk [tilespmem:v11+s14+$0x0], $0xffff;
	_ =	sdelay $0x1  }
0x1b1: {  	v8 =	vpop (erf)  }
0x1b2: {  	v9 =	vpop (erf)  }
0x1b3: {  	v9 =	vadd.f32 $9.999999970e-07, v9  }
0x1b4: {  	v6 =	vmul.f32 $1.442695020e+00, v6  }
0x1b5: {  	(erf) = vrcp.f32 v9  }
0x1b6: {  	(erf) = vpow2.f32 v6;
	_ =	sdelay $0x4  }
0x1b7: {  	v9 =	vor.u32 v43, v5  }
0x1b8: {  	v6 =	vor.u32 v42, v5;
	_ =	sdelay $0x1  }
0x1b9: {  	v10 =	vpop (erf)  }
0x1ba: {  	v12 =	vld [tilespmem:$0x41F0];
	v11 =	vpop (erf)  }
0x1bb: {  	v5 =	vor.u32 v44, v5;
	v9 =	vld.idx.msk [tilespmem:v9+s14+$0x0], $0xffff;
	v11 =	vadd.f32 $9.999999970e-07, v11  }
0x1bc: {  	v6 =	vld.idx.msk [tilespmem:v6+s14+$0x0], $0xffff  }
0x1bd: {  	(erf) = vrcp.f32 v11;
	v11 =	vld [tilespmem:$0x4170];
	_ =	sdelay $0x1  }
0x1be: {  	v13 =	vld [tilespmem:$0x4270]  }
0x1bf: {  	v5 =	vld.idx.msk [tilespmem:v5+s14+$0x0], $0xffff;
	_ =	sdelay $0x1  }
0x1c0: {  	v9 =	vsub.f32 v12, v9;
	v6 =	vsub.f32 v11, v6;
	_ =	sdelay $0x1  }
0x1c1: {  	v6 =	vmul.f32 v8, v6  }
0x1c2: {  	v5 =	vsub.f32 v13, v5;
	v8 =	vmul.f32 v10, v9  }
0x1c3: {  	v9 =	vpop (erf);
	v6 =	vmul.f32 v6, v6  }
0x1c4: {  	v8 =	vmul.f32 v8, v8;
	v5 =	vmul.f32 v9, v5;
	_ =	sdelay $0x1  }
0x1c5: {  	v6 =	vadd.f32 v8, v6;
	v5 =	vmul.f32 v5, v5;
	_ =	sdelay $0x1  }
0x1c6: {  	v5 =	vadd.f32 v5, v6;
	_ =	sdelay $0x1  }
0x1c7: {  	v6 =	vshra.s32 v5, $0x1  }
0x1c8: {  	v6 =	vadd.s32 $0x1FBD1DF5, v6  }
0x1c9: {  	(erf) = vrcp.f32 v6;
	_ =	sdelay $0x8  }
0x1ca: {  	v8 =	vpop (erf)  }
0x1cb: {  	v8 =	vmul.f32 v8, v5;
	_ =	sdelay $0x1  }
0x1cc: {  	v6 =	vadd.f32 v6, v8;
	_ =	sdelay $0x1  }
0x1cd: {  	v6 =	vmul.f32 $5.000000000e-01, v6;
	_ =	sdelay $0x1  }
0x1ce: {  	(erf) = vrcp.f32 v6;
	_ =	sdelay $0x4  }
0x1cf: {  	v48 =	vmul.f32 v50, v48;
	_ =	sdelay $0x1  }
0x1d0: {  	v8 =	vadd.f32 v48, v49  }
0x1d1: {  	v49 =	vld [tilespmem:$0x4280]  }
0x1d2: {  	v50 =	vmul.f32 v53, v51;
	v8 =	vmul.f32 $5.000000000e-01, v8;
	v51 =	vpop (erf)  }
0x1d3: {  	v13 =	vmul.f32 v56, v54;
	v11 =	vmul.f32 v51, v5  }
0x1d4: {  	v10 =	vadd.f32 v50, v52;
	v8 =	vadd.f32 $-1.000000000e+00, v8  }
0x1d5: {  	v12 =	vld [tilespmem:$0x4290];
	v53 =	vadd.f32 v13, v55;
	v6 =	vadd.f32 v11, v6  }
0x1d6: {  	v13 =	vld [tilespmem:$0x42A0];
	v10 =	vmul.f32 $5.000000000e-01, v10;
	v9 =	vmax.f32 v49, $0.0e+00;
	v8 =	vmul.f32 v8, v8  }
0x1d7: {  	v2 =	vmul.f32 v2, v63;
	v9 =	vmin.f32 v9, $1.000000000e+00;
	v6 =	vmul.f32 $5.000000000e-01, v6  }
0x1d8: {  	v54 =	vmul.f32 v62, v60;
	v10 =	vadd.f32 $-1.000000000e+00, v10;
	v8 =	vmul.f32 v8, v9  }
0x1d9: {  	v1 =	vadd.f32 v2, v1;
	v9 =	vmul.f32 $5.000000000e-01, v53;
	(erf) = vrcp.f32 v6  }
0x1da: {  	v12 =	vmax.f32 v12, $0.0e+00;
	v52 =	vmul.f32 v59, v57;
	v10 =	vmul.f32 v10, v10  }
0x1db: {  	v12 =	vmin.f32 v12, $1.000000000e+00;
	v13 =	vmax.f32 v13, $0.0e+00;
	v9 =	vadd.f32 $-1.000000000e+00, v9  }
0x1dc: {  	v10 =	vmul.f32 v10, v12;
	v8 =	vadd.f32 $0.0e+00, v8;
	v11 =	vadd.f32 v52, v58  }
0x1dd: {  	v1 =	vmul.f32 $5.000000000e-01, v1;
	v13 =	vmin.f32 v13, $1.000000000e+00;
	v12 =	vld [tilespmem:$0x42B0];
	v9 =	vmul.f32 v9, v9  }
0x1de: {  	v8 =	vadd.f32 v10, v8;
	v10 =	vadd.f32 v54, v61;
	v11 =	vmul.f32 $5.000000000e-01, v11  }
0x1df: {  	v1 =	vadd.f32 $-1.000000000e+00, v1;
	v3 =	vmul.f32 v7, v3;
	v9 =	vmul.f32 v9, v13;
	v13 =	vld [tilespmem:$0x42C0]  }
0x1e0: {  	v10 =	vmul.f32 $5.000000000e-01, v10;
	v11 =	vadd.f32 $-1.000000000e+00, v11  }
0x1e1: {  	v1 =	vmul.f32 v1, v1;
	v3 =	vadd.f32 v3, v4;
	v55 =	vld [tilespmem:$0x42D0]  }
0x1e2: {  	v12 =	vmax.f32 v12, $0.0e+00;
	v56 =	vadd.f32 $-1.000000000e+00, v10;
	v11 =	vmul.f32 v11, v11;
	v57 =	vpop (erf)  }
0x1e3: {  	v2 =	vmin.f32 v12, $1.000000000e+00;
	v8 =	vadd.f32 v9, v8;
	v58 =	vmul.f32 v57, v5  }
0x1e4: {  	v60 =	vld [tilespmem:$0x42E0];
	v7 =	vmul.f32 v56, v56;
	v59 =	vmax.f32 v13, $0.0e+00;
	v2 =	vmul.f32 v11, v2  }
0x1e5: {  	v3 =	vmul.f32 $5.000000000e-01, v3;
	v5 =	vmin.f32 v59, $1.000000000e+00;
	v4 =	vadd.f32 v58, v6  }
0x1e6: {  	v62 =	vld [tilespmem:$0x42F0];
	v61 =	vmax.f32 v55, $0.0e+00;
	v2 =	vadd.f32 v2, v8;
	v5 =	vmul.f32 v7, v5  }
0x1e7: {  	v3 =	vadd.f32 $-1.000000000e+00, v3;
	v6 =	vmin.f32 v61, $1.000000000e+00;
	v4 =	vmul.f32 $5.000000000e-01, v4  }
0x1e8: {  	v2 =	vadd.f32 v5, v2;
	v1 =	vmul.f32 v1, v6  }
0x1e9: {  	v3 =	vmul.f32 v3, v3;
	v63 =	vmax.f32 v60, $0.0e+00;
	v4 =	vadd.f32 $-1.000000000e+00, v4  }
0x1ea: {  	v1 =	vadd.f32 v1, v2;
	v2 =	vmin.f32 v63, $1.000000000e+00  }
0x1eb: {  	v2 =	vmul.f32 v3, v2;
	v3 =	vmax.f32 v62, $0.0e+00;
	v4 =	vmul.f32 v4, v4  }
0x1ec: {  	v3 =	vmin.f32 v3, $1.000000000e+00  }
0x1ed: {  	v1 =	vadd.f32 v2, v1;
	v2 =	vmul.f32 v4, v3;
	_ =	sdelay $0x1  }
0x1ee: {  	v1 =	vadd.f32 v2, v1;
	_ =	sdelay $0x1  }
0x1ef: {  	[tilespmem:$0x4300] =	vst v1  }
0x1f0: {  	[spmem:s9] =	stream.linear.scatter [tilespmem:s20], [sflag:$0x2], $0x80, $0x38;
	[tilespmem:$0x4BA0] =	vst v63  }
0x1f1: {  	_ =	swait.ge [sflag:s12], $0x80  }
0x1f2: {  	[sflag:s12] =	ssyncset.done $0x0  }
0x1f3: {  	[sflag:s12] =	ssyncadd.s32 $0xFFFFFF80  }
0x1f4: {  	s21 =	simm.s32 @!p0 $0x4380;
	[bflag:$0x0] =	sbarrier.arrive $0xFFFF  }
0x1f5: {  	[tilespmem:s21], [sflag:$0x2] =	stream.linear.gather @!p0 [spmem:s6], $0x800, $0x38;
	[tilespmem:$0x4BA0] =	vst v63  }
0x1f6: {  	s21 =	simm.s32 @!p0 $0x2  }
0x1f7: {  	_ =	swait.ge @!p0 [sflag:s21], $0x800  }
0x1f8: {  	[sflag:s21] =	ssyncset.done @!p0 $0x0  }
0x1f9: {  	[sflag:s21] =	ssyncadd.s32 @!p0 $0xFFFFF800  }
0x1fa: {  	v1 =	vld @!p0 [tilespmem:$0x4380]  }
0x1fb: {  	v2 =	vld @!p0 [tilespmem:$0x4400];
	_ =	sdelay $0x1  }
0x1fc: {  	v3 =	vld @!p0 [tilespmem:$0x4480];
	_ =	sdelay $0x1  }
0x1fd: {  	v4 =	vld @!p0 [tilespmem:$0x4500]  }
0x1fe: {  	v1 =	vadd.f32 @!p0 v2, v1  }
0x1ff: {  	v2 =	vld @!p0 [tilespmem:$0x4580]  }
0x200: {  	v1 =	vadd.f32 @!p0 v3, v1  }
0x201: {  	v3 =	vld @!p0 [tilespmem:$0x4600]  }
0x202: {  	v1 =	vadd.f32 @!p0 v4, v1  }
0x203: {  	v4 =	vld @!p0 [tilespmem:$0x4680]  }
0x204: {  	v1 =	vadd.f32 @!p0 v2, v1  }
0x205: {  	v2 =	vld @!p0 [tilespmem:$0x4700]  }
0x206: {  	v1 =	vadd.f32 @!p0 v3, v1  }
0x207: {  	v3 =	vld @!p0 [tilespmem:$0x4780]  }
0x208: {  	v1 =	vadd.f32 @!p0 v4, v1  }
0x209: {  	v4 =	vld @!p0 [tilespmem:$0x4800]  }
0x20a: {  	v1 =	vadd.f32 @!p0 v2, v1  }
0x20b: {  	v2 =	vld @!p0 [tilespmem:$0x4880]  }
0x20c: {  	v1 =	vadd.f32 @!p0 v3, v1  }
0x20d: {  	v3 =	vld @!p0 [tilespmem:$0x4900]  }
0x20e: {  	v1 =	vadd.f32 @!p0 v4, v1  }
0x20f: {  	v4 =	vld @!p0 [tilespmem:$0x4980]  }
0x210: {  	v1 =	vadd.f32 @!p0 v2, v1  }
0x211: {  	v2 =	vld @!p0 [tilespmem:$0x4A00]  }
0x212: {  	v1 =	vadd.f32 @!p0 v3, v1  }
0x213: {  	v3 =	vld @!p0 [tilespmem:$0x4A80]  }
0x214: {  	v1 =	vadd.f32 @!p0 v4, v1  }
0x215: {  	v4 =	vld @!p0 [tilespmem:$0x4B00]  }
0x216: {  	v1 =	vadd.f32 @!p0 v2, v1;
	_ =	sdelay $0x1  }
0x217: {  	v1 =	vadd.f32 @!p0 v3, v1;
	_ =	sdelay $0x1  }
0x218: {  	v1 =	vadd.f32 @!p0 v4, v1;
	_ =	sdelay $0x1  }
0x219: {  	(xrf2) =	vadd.scan.msk.f32 @!p0 $0xffff, v1;
	_ =	sdelay $0x8  }
0x21a: {  	s11 =	sadd.s32 $0xFFFFFFFF, s11  }
0x21b: {  	p1 =	sne.s32 s11, $0x0;
	v1, _, _ =	vpop @!p0 (xrf2)  }
.Ltmp0:
0x21c: {  	s22 =	simm.s32 @!p0 $0x0;
	s23 =	simm.s32 @!p0 $0x4300;
	[tilespmem:$0x4300] =	vst @!p0 v1;
	(pc) =	sbr.rel @p1 .LBB2_1-.Ltmp0, $4  }
0x21d: {  	[hbm4b:s10+s22] =	stream.linear.scatter @!p0 [tilespmem:s23], [sflag:$0x2], $0x80, $0x38;
	[tilespmem:$0x4BA0] =	vst v63  }
0x21e: {  	_ =	swait.ge @!p0 [sflag:s21], $0x80  }
0x21f: {  	[sflag:s21] =	ssyncset.done @!p0 $0x0  }
0x220: {  	[sflag:s21] =	ssyncadd.s32 @!p0 $0xFFFFFF80  }
0x221: {  	_ =	sfence.sel $0x180000  }
0x222: {  	[bflag:$0x0] =	sbarrier.arrive $0xFFFF  }
0x223: {  	_ =	strace $0x90000047  }
0x224: {  	s0 =	sadd.s32 @!p0 $0x100000, s0;
	[bflag:$0x2] =	sbarrier.arrive $0xFFFF  }
0x225: {  	[sflag:s0] =	ssyncadd.tile.s32 @!p0 $0x1;
	_ =	shalt  }
.Lfunc_end2:
_tile_overlayer_lowered:
.L_overlay_start_2:
0x226: {  	(tag) =	ssettag $0x2  }
0x227: {  	s0 =	rddreg [dreg:$0x0];
	s2 =	stileid.u32  }
0x228: {  	s1 =	rddreg [dreg:$0x1];
	p0 =	sne.s32 s2, $0x0  }
0x229: {  	s3 =	rddreg [dreg:$0x2];
	[bflag:$0x3] =	sbarrier.arrive $0xFFFF;
	s2 =	simm.s32 @!p0 $0x1C02  }
0x22a: {  	[timem:s3], [sflag:s2] =	dma.local @!p0 [hbm:s0], s1  }
0x22b: {  	s0 =	simm.s32 @!p0 $0x2  }
0x22c: {  	_ =	swait.ge @!p0 [sflag:s0], s1  }
0x22d: {  	s1 =	ssub.s32 @!p0 $0x0, s1;
	[sflag:s0] =	ssyncset.done @!p0 $0x0  }
0x22e: {  	[sflag:s0] =	ssyncadd.s32 @!p0 s1  }
0x22f: {  	[bflag:$0x3] =	sbarrier.arrive $0xFFFF  }
0x230: {  	_ =	shalt  }

</sc_bundles>
